<compile_context>
chip_gen: v7x
topology: tpu7x:2x2x1
jax: 0.10.2.dev20260603
libtpu: 0.0.44.dev20260713+nightly
codegen_flags: <defaults>
</compile_context>

<pallas_src>
import functools

import jax
import jax.numpy as jnp
from jax import lax
from jax.experimental import pallas as pl
from jax.experimental.pallas import tpu as pltpu
from jax.experimental.pallas import tpu_sc as plsc

EMB_DIM = 1024
LANES = 16
NUM_CORES = 2
NUM_SUBCORES = 16
NUM_WORKERS = NUM_CORES * NUM_SUBCORES


@jax.jit
def _lookup(segment, table):
    bsz, seq = segment.shape
    n = bsz * seq
    per_w = n // NUM_WORKERS
    w_per_row = seq // per_w
    n_groups = per_w // LANES
    mesh = plsc.VectorSubcoreMesh(core_axis_name="c", subcore_axis_name="s")

    @functools.partial(
        pl.kernel,
        out_type=jax.ShapeDtypeStruct((bsz, seq, EMB_DIM), jnp.float32),
        mesh=mesh,
        scratch_types=[
            pltpu.VMEM((1, per_w), jnp.int32),
            pltpu.VMEM((3, EMB_DIM), jnp.float32),
            pltpu.SemaphoreType.DMA,
        ],
    )
    def body(seg_hbm, table_hbm, out_hbm, idx_v, table_v, sem):
        wid = lax.axis_index("s") * NUM_CORES + lax.axis_index("c")
        row = wid // w_per_row
        col0 = (wid % w_per_row) * per_w
        pltpu.async_copy(table_hbm, table_v, sem)
        pltpu.async_copy(
            seg_hbm.at[pl.ds(row, 1), pl.ds(col0, per_w)], idx_v, sem
        )
        pltpu.make_async_copy(table_hbm, table_v, sem).wait()
        pltpu.make_async_copy(
            seg_hbm.at[pl.ds(row, 1), pl.ds(col0, per_w)], idx_v, sem
        ).wait()

        def group(g, carry):
            seg_vec = idx_v[0, pl.ds(g * LANES, LANES)]
            tok = col0 + g * LANES
            for r in range(LANES):
                pltpu.async_copy(
                    table_v.at[seg_vec[r]], out_hbm.at[row, tok + r], sem
                )
            return carry

        lax.fori_loop(0, n_groups, group, 0)

        pltpu.make_async_copy(
            out_hbm.at[pl.ds(row, 1), pl.ds(col0, per_w)],
            out_hbm.at[pl.ds(row, 1), pl.ds(col0, per_w)],
            sem,
        ).wait()

    return body(segment, table)


def kernel(segment, table):
    return _lookup(segment.astype(jnp.int32), table)

# --- scband reference (transcript-rebuilt; emitter-appended) ---
"""Pipeline reference for scband-segment-embedding-28063316312682 (READ-ONLY COPY).

The authoritative reference and input builder live on the scoring server;
editing this copy changes nothing except your own understanding.
"""

import jax, jax.numpy as jnp
import numpy as np

EMB_DIM = 1024
SEGMENT_NUM = 3
BATCH = 4
SEQ_LEN = 8192


def setup_inputs(seed: int = 0) -> dict:
    key = jax.random.key(seed)
    k_idx, k_tab = jax.random.split(key)
    segment = jax.random.randint(k_idx, (BATCH, SEQ_LEN), 0, SEGMENT_NUM, dtype=jnp.int64 if jax.config.jax_enable_x64 else jnp.int32)
    table = jax.random.normal(k_tab, (SEGMENT_NUM, EMB_DIM), dtype=jnp.float32)
    return {"segment": segment, "table": table}


def reference(segment, table):
    # nn.Embedding lookup: table[segment] -> [B, S, emb_dim]
    return jnp.take(table, segment, axis=0)

if __name__ == "__main__":
    import jax
    _d = setup_inputs()
    print(jax.jit(kernel)(*tuple(_d.values())))

</pallas_src>

<mosaic_0001>
#map = affine_map<(d0, d1) -> (0, 0)>
#map1 = affine_map<(d0, d1) -> (0, 0, 0)>
module attributes {stable_mosaic.version = 14 : i64} {
  func.func @body(%arg0: i32, %arg1: i32, %arg2: memref<4x8192xi32, #tpu.memory_space<hbm>>, %arg3: memref<3x1024xf32, #tpu.memory_space<hbm>>, %arg4: memref<4x8192x1024xf32, #tpu.memory_space<hbm>>, %arg5: memref<1x1024xi32, #tpu.memory_space<vmem>>, %arg6: memref<3x1024xf32, #tpu.memory_space<vmem>>, %arg7: memref<!tpu.dma_semaphore, #tpu.memory_space<semaphore_mem>>) attributes {dimension_semantics = [#tpu.dimension_semantics<core_parallel>, #tpu.dimension_semantics<subcore_parallel>], iteration_bounds = array<i64: 2, 16>, scalar_prefetch = 0 : i64, scratch_operands = 3 : i64, tpu.core_type = #tpu.core_type<sc_vector_subcore>, window_params = [{transform_indices = #map}, {transform_indices = #map}, {transform_indices = #map1}]} {
    %mul3A = arith.constant 2 : i32
    %mul3A_0 = arith.muli %arg1, %mul3A : i32
    %add3A = arith.addi %mul3A_0, %arg0 : i32
    %jit3A = arith.constant 8 : i32
    %div3A = arith.divsi %add3A, %jit3A : i32
    %sign3A = arith.constant 0 : i32
    %sign3A_1 = arith.cmpi sgt, %add3A, %sign3A : i32
    %sign3A_2 = arith.extui %sign3A_1 : i1 to i32
    %sign3A_3 = arith.constant 0 : i32
    %sign3A_4 = arith.cmpi slt, %add3A, %sign3A_3 : i32
    %sign3A_5 = arith.extui %sign3A_4 : i1 to i32
    %sign3A_6 = arith.subi %sign3A_2, %sign3A_5 : i32
    %sign3A_7 = arith.constant 0 : i32
    %sign3A_8 = arith.cmpi sgt, %jit3A, %sign3A_7 : i32
    %sign3A_9 = arith.extui %sign3A_8 : i1 to i32
    %sign3A_10 = arith.constant 0 : i32
    %sign3A_11 = arith.cmpi slt, %jit3A, %sign3A_10 : i32
    %sign3A_12 = arith.extui %sign3A_11 : i1 to i32
    %sign3A_13 = arith.subi %sign3A_9, %sign3A_12 : i32
    %ne3A = arith.cmpi ne, %sign3A_6, %sign3A_13 : i32
    %rem3A = arith.remsi %add3A, %jit3A : i32
    %ne3A_14 = arith.constant 0 : i32
    %ne3A_15 = arith.cmpi ne, %rem3A, %ne3A_14 : i32
    %and3A = arith.andi %ne3A, %ne3A_15 : i1
    %sub3A = arith.constant 1 : i32
    %sub3A_16 = arith.subi %div3A, %sub3A : i32
    %select_n3A = arith.select %and3A, %sub3A_16, %div3A : i32
    %jit3A_17 = arith.constant 8 : i32
    %eq3A = arith.constant 0 : i32
    %eq3A_18 = arith.cmpi eq, %jit3A_17, %eq3A : i32
    %jit3A_19 = arith.constant 1 : i32
    %select_n3A_20 = arith.select %eq3A_18, %jit3A_19, %jit3A_17 : i32
    %rem3A_21 = arith.remsi %add3A, %select_n3A_20 : i32
    %ne3A_22 = arith.constant 0 : i32
    %ne3A_23 = arith.cmpi ne, %rem3A_21, %ne3A_22 : i32
    %lt3A = arith.constant 0 : i32
    %lt3A_24 = arith.cmpi slt, %rem3A_21, %lt3A : i32
    %lt3A_25 = arith.constant 0 : i32
    %lt3A_26 = arith.cmpi slt, %select_n3A_20, %lt3A_25 : i32
    %ne3A_27 = arith.xori %lt3A_24, %lt3A_26 : i1
    %and3A_28 = arith.andi %ne3A_27, %ne3A_23 : i1
    %add3A_29 = arith.addi %rem3A_21, %select_n3A_20 : i32
    %select_n3A_30 = arith.select %and3A_28, %add3A_29, %rem3A_21 : i32
    %mul3A_31 = arith.constant 1024 : i32
    %mul3A_32 = arith.muli %select_n3A_30, %mul3A_31 : i32
    tpu.enqueue_dma source(%arg3 : memref<3x1024xf32, #tpu.memory_space<hbm>>) target(%arg6 : memref<3x1024xf32, #tpu.memory_space<vmem>>) target_semaphore(%arg7 : memref<!tpu.dma_semaphore, #tpu.memory_space<semaphore_mem>>)
    %dma_start3A = tpu.memref_slice %arg2[%select_n3A, %mul3A_32] : memref<4x8192xi32, #tpu.memory_space<hbm>> -> memref<1x1024xi32, #tpu.memory_space<hbm>>
    %dma_start3A_33 = tpu.memref_slice %arg2[%select_n3A, %mul3A_32] : memref<4x8192xi32, #tpu.memory_space<hbm>> -> memref<1x1024xi32, #tpu.memory_space<hbm>>
    tpu.enqueue_dma source(%dma_start3A_33 : memref<1x1024xi32, #tpu.memory_space<hbm>>) target(%arg5 : memref<1x1024xi32, #tpu.memory_space<vmem>>) target_semaphore(%arg7 : memref<!tpu.dma_semaphore, #tpu.memory_space<semaphore_mem>>)
    tpu.wait_dma2 semaphore(%arg7 : memref<!tpu.dma_semaphore, #tpu.memory_space<semaphore_mem>>) src(%arg3 : memref<3x1024xf32, #tpu.memory_space<hbm>>) dst(%arg6 : memref<3x1024xf32, #tpu.memory_space<vmem>>)
    %dma_wait3A = tpu.memref_slice %arg2[%select_n3A, %mul3A_32] : memref<4x8192xi32, #tpu.memory_space<hbm>> -> memref<1x1024xi32, #tpu.memory_space<hbm>>
    %dma_wait3A_34 = tpu.memref_slice %arg2[%select_n3A, %mul3A_32] : memref<4x8192xi32, #tpu.memory_space<hbm>> -> memref<1x1024xi32, #tpu.memory_space<hbm>>
    tpu.wait_dma2 semaphore(%arg7 : memref<!tpu.dma_semaphore, #tpu.memory_space<semaphore_mem>>) src(%dma_wait3A_34 : memref<1x1024xi32, #tpu.memory_space<hbm>>) dst(%arg5 : memref<1x1024xi32, #tpu.memory_space<vmem>>)
    %scan3A = arith.constant 0 : i32
    %scan3A_35 = arith.constant 0 : i32
    %scan3A_36 = arith.constant 64 : i32
    %scan3A_37 = arith.addi %scan3A_35, %scan3A_36 : i32
    %scan3A_38 = arith.constant 1 : i32
    scf.for %scan3A_44 = %scan3A_35 to %scan3A_37 step %scan3A_38  : i32 {
      %mul3A_45 = arith.constant 16 : i32
      %mul3A_46 = arith.muli %scan3A_44, %mul3A_45 : i32
      %get3A = arith.constant 0 : i32
      %get3A_47 = arith.index_cast %get3A : i32 to index
      %get3A_48 = arith.index_cast %mul3A_46 : i32 to index
      %get3A_49 = tpu.vector_load %arg5[%get3A_47, %get3A_48] {strides = array<i32>} : memref<1x1024xi32, #tpu.memory_space<vmem>>, vector<1x16xi32>,
      %get3A_50 = vector.shape_cast %get3A_49 : vector<1x16xi32> to vector<16xi32>
      %mul3A_51 = arith.constant 16 : i32
      %mul3A_52 = arith.muli %scan3A_44, %mul3A_51 : i32
      %add3A_53 = arith.addi %mul3A_32, %mul3A_52 : i32
      %slice3A = vector.extract_strided_slice %get3A_50 {offsets = [0], sizes = [1], strides = [1]} : vector<16xi32> to vector<1xi32>
      %squeeze3A = vector.extract %slice3A[0] : i32 from vector<1xi32>
      %add3A_54 = arith.constant 0 : i32
      %add3A_55 = arith.addi %add3A_53, %add3A_54 : i32
      %dma_start3A_56 = arith.constant 0 : i32
      %dma_start3A_57 = tpu.memref_slice %arg6[%squeeze3A, %dma_start3A_56] : memref<3x1024xf32, #tpu.memory_space<vmem>> -> memref<1x1024xf32, #tpu.memory_space<vmem>>
      %dma_start3A_58 = tpu.memref_squeeze %dma_start3A_57 : memref<1x1024xf32, #tpu.memory_space<vmem>> -> memref<1024xf32, #tpu.memory_space<vmem>>
      %dma_start3A_59 = arith.constant 0 : i32
      %dma_start3A_60 = tpu.memref_slice %arg4[%select_n3A, %add3A_55, %dma_start3A_59] : memref<4x8192x1024xf32, #tpu.memory_space<hbm>> -> memref<1x1x1024xf32, #tpu.memory_space<hbm>>
      %dma_start3A_61 = tpu.memref_squeeze %dma_start3A_60 : memref<1x1x1024xf32, #tpu.memory_space<hbm>> -> memref<1024xf32, #tpu.memory_space<hbm>>
      %dma_start3A_62 = arith.constant 0 : i32
      %dma_start3A_63 = tpu.memref_slice %arg4[%select_n3A, %add3A_55, %dma_start3A_62] : memref<4x8192x1024xf32, #tpu.memory_space<hbm>> -> memref<1x1x1024xf32, #tpu.memory_space<hbm>>
      %dma_start3A_64 = tpu.memref_squeeze %dma_start3A_63 : memref<1x1x1024xf32, #tpu.memory_space<hbm>> -> memref<1024xf32, #tpu.memory_space<hbm>>
      %dma_start3A_65 = arith.constant 0 : i32
      %dma_start3A_66 = tpu.memref_slice %arg6[%squeeze3A, %dma_start3A_65] : memref<3x1024xf32, #tpu.memory_space<vmem>> -> memref<1x1024xf32, #tpu.memory_space<vmem>>
      %dma_start3A_67 = tpu.memref_squeeze %dma_start3A_66 : memref<1x1024xf32, #tpu.memory_space<vmem>> -> memref<1024xf32, #tpu.memory_space<vmem>>
      tpu.enqueue_dma source(%dma_start3A_67 : memref<1024xf32, #tpu.memory_space<vmem>>) target(%dma_start3A_64 : memref<1024xf32, #tpu.memory_space<hbm>>) target_semaphore(%arg7 : memref<!tpu.dma_semaphore, #tpu.memory_space<semaphore_mem>>)
      %slice3A_68 = vector.extract_strided_slice %get3A_50 {offsets = [1], sizes = [1], strides = [1]} : vector<16xi32> to vector<1xi32>
      %squeeze3A_69 = vector.extract %slice3A_68[0] : i32 from vector<1xi32>
      %add3A_70 = arith.constant 1 : i32
      %add3A_71 = arith.addi %add3A_53, %add3A_70 : i32
      %dma_start3A_72 = arith.constant 0 : i32
      %dma_start3A_73 = tpu.memref_slice %arg6[%squeeze3A_69, %dma_start3A_72] : memref<3x1024xf32, #tpu.memory_space<vmem>> -> memref<1x1024xf32, #tpu.memory_space<vmem>>
      %dma_start3A_74 = tpu.memref_squeeze %dma_start3A_73 : memref<1x1024xf32, #tpu.memory_space<vmem>> -> memref<1024xf32, #tpu.memory_space<vmem>>
      %dma_start3A_75 = arith.constant 0 : i32
      %dma_start3A_76 = tpu.memref_slice %arg4[%select_n3A, %add3A_71, %dma_start3A_75] : memref<4x8192x1024xf32, #tpu.memory_space<hbm>> -> memref<1x1x1024xf32, #tpu.memory_space<hbm>>
      %dma_start3A_77 = tpu.memref_squeeze %dma_start3A_76 : memref<1x1x1024xf32, #tpu.memory_space<hbm>> -> memref<1024xf32, #tpu.memory_space<hbm>>
      %dma_start3A_78 = arith.constant 0 : i32
      %dma_start3A_79 = tpu.memref_slice %arg4[%select_n3A, %add3A_71, %dma_start3A_78] : memref<4x8192x1024xf32, #tpu.memory_space<hbm>> -> memref<1x1x1024xf32, #tpu.memory_space<hbm>>
      %dma_start3A_80 = tpu.memref_squeeze %dma_start3A_79 : memref<1x1x1024xf32, #tpu.memory_space<hbm>> -> memref<1024xf32, #tpu.memory_space<hbm>>
      %dma_start3A_81 = arith.constant 0 : i32
      %dma_start3A_82 = tpu.memref_slice %arg6[%squeeze3A_69, %dma_start3A_81] : memref<3x1024xf32, #tpu.memory_space<vmem>> -> memref<1x1024xf32, #tpu.memory_space<vmem>>
      %dma_start3A_83 = tpu.memref_squeeze %dma_start3A_82 : memref<1x1024xf32, #tpu.memory_space<vmem>> -> memref<1024xf32, #tpu.memory_space<vmem>>
      tpu.enqueue_dma source(%dma_start3A_83 : memref<1024xf32, #tpu.memory_space<vmem>>) target(%dma_start3A_80 : memref<1024xf32, #tpu.memory_space<hbm>>) target_semaphore(%arg7 : memref<!tpu.dma_semaphore, #tpu.memory_space<semaphore_mem>>)
      %slice3A_84 = vector.extract_strided_slice %get3A_50 {offsets = [2], sizes = [1], strides = [1]} : vector<16xi32> to vector<1xi32>
      %squeeze3A_85 = vector.extract %slice3A_84[0] : i32 from vector<1xi32>
      %add3A_86 = arith.constant 2 : i32
      %add3A_87 = arith.addi %add3A_53, %add3A_86 : i32
      %dma_start3A_88 = arith.constant 0 : i32
      %dma_start3A_89 = tpu.memref_slice %arg6[%squeeze3A_85, %dma_start3A_88] : memref<3x1024xf32, #tpu.memory_space<vmem>> -> memref<1x1024xf32, #tpu.memory_space<vmem>>
      %dma_start3A_90 = tpu.memref_squeeze %dma_start3A_89 : memref<1x1024xf32, #tpu.memory_space<vmem>> -> memref<1024xf32, #tpu.memory_space<vmem>>
      %dma_start3A_91 = arith.constant 0 : i32
      %dma_start3A_92 = tpu.memref_slice %arg4[%select_n3A, %add3A_87, %dma_start3A_91] : memref<4x8192x1024xf32, #tpu.memory_space<hbm>> -> memref<1x1x1024xf32, #tpu.memory_space<hbm>>
      %dma_start3A_93 = tpu.memref_squeeze %dma_start3A_92 : memref<1x1x1024xf32, #tpu.memory_space<hbm>> -> memref<1024xf32, #tpu.memory_space<hbm>>
      %dma_start3A_94 = arith.constant 0 : i32
      %dma_start3A_95 = tpu.memref_slice %arg4[%select_n3A, %add3A_87, %dma_start3A_94] : memref<4x8192x1024xf32, #tpu.memory_space<hbm>> -> memref<1x1x1024xf32, #tpu.memory_space<hbm>>
      %dma_start3A_96 = tpu.memref_squeeze %dma_start3A_95 : memref<1x1x1024xf32, #tpu.memory_space<hbm>> -> memref<1024xf32, #tpu.memory_space<hbm>>
      %dma_start3A_97 = arith.constant 0 : i32
      %dma_start3A_98 = tpu.memref_slice %arg6[%squeeze3A_85, %dma_start3A_97] : memref<3x1024xf32, #tpu.memory_space<vmem>> -> memref<1x1024xf32, #tpu.memory_space<vmem>>
      %dma_start3A_99 = tpu.memref_squeeze %dma_start3A_98 : memref<1x1024xf32, #tpu.memory_space<vmem>> -> memref<1024xf32, #tpu.memory_space<vmem>>
      tpu.enqueue_dma source(%dma_start3A_99 : memref<1024xf32, #tpu.memory_space<vmem>>) target(%dma_start3A_96 : memref<1024xf32, #tpu.memory_space<hbm>>) target_semaphore(%arg7 : memref<!tpu.dma_semaphore, #tpu.memory_space<semaphore_mem>>)
      %slice3A_100 = vector.extract_strided_slice %get3A_50 {offsets = [3], sizes = [1], strides = [1]} : vector<16xi32> to vector<1xi32>
      %squeeze3A_101 = vector.extract %slice3A_100[0] : i32 from vector<1xi32>
      %add3A_102 = arith.constant 3 : i32
      %add3A_103 = arith.addi %add3A_53, %add3A_102 : i32
      %dma_start3A_104 = arith.constant 0 : i32
      %dma_start3A_105 = tpu.memref_slice %arg6[%squeeze3A_101, %dma_start3A_104] : memref<3x1024xf32, #tpu.memory_space<vmem>> -> memref<1x1024xf32, #tpu.memory_space<vmem>>
      %dma_start3A_106 = tpu.memref_squeeze %dma_start3A_105 : memref<1x1024xf32, #tpu.memory_space<vmem>> -> memref<1024xf32, #tpu.memory_space<vmem>>
      %dma_start3A_107 = arith.constant 0 : i32
      %dma_start3A_108 = tpu.memref_slice %arg4[%select_n3A, %add3A_103, %dma_start3A_107] : memref<4x8192x1024xf32, #tpu.memory_space<hbm>> -> memref<1x1x1024xf32, #tpu.memory_space<hbm>>
      %dma_start3A_109 = tpu.memref_squeeze %dma_start3A_108 : memref<1x1x1024xf32, #tpu.memory_space<hbm>> -> memref<1024xf32, #tpu.memory_space<hbm>>
      %dma_start3A_110 = arith.constant 0 : i32
      %dma_start3A_111 = tpu.memref_slice %arg4[%select_n3A, %add3A_103, %dma_start3A_110] : memref<4x8192x1024xf32, #tpu.memory_space<hbm>> -> memref<1x1x1024xf32, #tpu.memory_space<hbm>>
      %dma_start3A_112 = tpu.memref_squeeze %dma_start3A_111 : memref<1x1x1024xf32, #tpu.memory_space<hbm>> -> memref<1024xf32, #tpu.memory_space<hbm>>
      %dma_start3A_113 = arith.constant 0 : i32
      %dma_start3A_114 = tpu.memref_slice %arg6[%squeeze3A_101, %dma_start3A_113] : memref<3x1024xf32, #tpu.memory_space<vmem>> -> memref<1x1024xf32, #tpu.memory_space<vmem>>
      %dma_start3A_115 = tpu.memref_squeeze %dma_start3A_114 : memref<1x1024xf32, #tpu.memory_space<vmem>> -> memref<1024xf32, #tpu.memory_space<vmem>>
      tpu.enqueue_dma source(%dma_start3A_115 : memref<1024xf32, #tpu.memory_space<vmem>>) target(%dma_start3A_112 : memref<1024xf32, #tpu.memory_space<hbm>>) target_semaphore(%arg7 : memref<!tpu.dma_semaphore, #tpu.memory_space<semaphore_mem>>)
      %slice3A_116 = vector.extract_strided_slice %get3A_50 {offsets = [4], sizes = [1], strides = [1]} : vector<16xi32> to vector<1xi32>
      %squeeze3A_117 = vector.extract %slice3A_116[0] : i32 from vector<1xi32>
      %add3A_118 = arith.constant 4 : i32
      %add3A_119 = arith.addi %add3A_53, %add3A_118 : i32
      %dma_start3A_120 = arith.constant 0 : i32
      %dma_start3A_121 = tpu.memref_slice %arg6[%squeeze3A_117, %dma_start3A_120] : memref<3x1024xf32, #tpu.memory_space<vmem>> -> memref<1x1024xf32, #tpu.memory_space<vmem>>
      %dma_start3A_122 = tpu.memref_squeeze %dma_start3A_121 : memref<1x1024xf32, #tpu.memory_space<vmem>> -> memref<1024xf32, #tpu.memory_space<vmem>>
      %dma_start3A_123 = arith.constant 0 : i32
      %dma_start3A_124 = tpu.memref_slice %arg4[%select_n3A, %add3A_119, %dma_start3A_123] : memref<4x8192x1024xf32, #tpu.memory_space<hbm>> -> memref<1x1x1024xf32, #tpu.memory_space<hbm>>
      %dma_start3A_125 = tpu.memref_squeeze %dma_start3A_124 : memref<1x1x1024xf32, #tpu.memory_space<hbm>> -> memref<1024xf32, #tpu.memory_space<hbm>>
      %dma_start3A_126 = arith.constant 0 : i32
      %dma_start3A_127 = tpu.memref_slice %arg4[%select_n3A, %add3A_119, %dma_start3A_126] : memref<4x8192x1024xf32, #tpu.memory_space<hbm>> -> memref<1x1x1024xf32, #tpu.memory_space<hbm>>
      %dma_start3A_128 = tpu.memref_squeeze %dma_start3A_127 : memref<1x1x1024xf32, #tpu.memory_space<hbm>> -> memref<1024xf32, #tpu.memory_space<hbm>>
      %dma_start3A_129 = arith.constant 0 : i32
      %dma_start3A_130 = tpu.memref_slice %arg6[%squeeze3A_117, %dma_start3A_129] : memref<3x1024xf32, #tpu.memory_space<vmem>> -> memref<1x1024xf32, #tpu.memory_space<vmem>>
      %dma_start3A_131 = tpu.memref_squeeze %dma_start3A_130 : memref<1x1024xf32, #tpu.memory_space<vmem>> -> memref<1024xf32, #tpu.memory_space<vmem>>
      tpu.enqueue_dma source(%dma_start3A_131 : memref<1024xf32, #tpu.memory_space<vmem>>) target(%dma_start3A_128 : memref<1024xf32, #tpu.memory_space<hbm>>) target_semaphore(%arg7 : memref<!tpu.dma_semaphore, #tpu.memory_space<semaphore_mem>>)
      %slice3A_132 = vector.extract_strided_slice %get3A_50 {offsets = [5], sizes = [1], strides = [1]} : vector<16xi32> to vector<1xi32>
      %squeeze3A_133 = vector.extract %slice3A_132[0] : i32 from vector<1xi32>
      %add3A_134 = arith.constant 5 : i32
      %add3A_135 = arith.addi %add3A_53, %add3A_134 : i32
      %dma_start3A_136 = arith.constant 0 : i32
      %dma_start3A_137 = tpu.memref_slice %arg6[%squeeze3A_133, %dma_start3A_136] : memref<3x1024xf32, #tpu.memory_space<vmem>> -> memref<1x1024xf32, #tpu.memory_space<vmem>>
      %dma_start3A_138 = tpu.memref_squeeze %dma_start3A_137 : memref<1x1024xf32, #tpu.memory_space<vmem>> -> memref<1024xf32, #tpu.memory_space<vmem>>
      %dma_start3A_139 = arith.constant 0 : i32
      %dma_start3A_140 = tpu.memref_slice %arg4[%select_n3A, %add3A_135, %dma_start3A_139] : memref<4x8192x1024xf32, #tpu.memory_space<hbm>> -> memref<1x1x1024xf32, #tpu.memory_space<hbm>>
      %dma_start3A_141 = tpu.memref_squeeze %dma_start3A_140 : memref<1x1x1024xf32, #tpu.memory_space<hbm>> -> memref<1024xf32, #tpu.memory_space<hbm>>
      %dma_start3A_142 = arith.constant 0 : i32
      %dma_start3A_143 = tpu.memref_slice %arg4[%select_n3A, %add3A_135, %dma_start3A_142] : memref<4x8192x1024xf32, #tpu.memory_space<hbm>> -> memref<1x1x1024xf32, #tpu.memory_space<hbm>>
      %dma_start3A_144 = tpu.memref_squeeze %dma_start3A_143 : memref<1x1x1024xf32, #tpu.memory_space<hbm>> -> memref<1024xf32, #tpu.memory_space<hbm>>
      %dma_start3A_145 = arith.constant 0 : i32
      %dma_start3A_146 = tpu.memref_slice %arg6[%squeeze3A_133, %dma_start3A_145] : memref<3x1024xf32, #tpu.memory_space<vmem>> -> memref<1x1024xf32, #tpu.memory_space<vmem>>
      %dma_start3A_147 = tpu.memref_squeeze %dma_start3A_146 : memref<1x1024xf32, #tpu.memory_space<vmem>> -> memref<1024xf32, #tpu.memory_space<vmem>>
      tpu.enqueue_dma source(%dma_start3A_147 : memref<1024xf32, #tpu.memory_space<vmem>>) target(%dma_start3A_144 : memref<1024xf32, #tpu.memory_space<hbm>>) target_semaphore(%arg7 : memref<!tpu.dma_semaphore, #tpu.memory_space<semaphore_mem>>)
      %slice3A_148 = vector.extract_strided_slice %get3A_50 {offsets = [6], sizes = [1], strides = [1]} : vector<16xi32> to vector<1xi32>
      %squeeze3A_149 = vector.extract %slice3A_148[0] : i32 from vector<1xi32>
      %add3A_150 = arith.constant 6 : i32
      %add3A_151 = arith.addi %add3A_53, %add3A_150 : i32
      %dma_start3A_152 = arith.constant 0 : i32
      %dma_start3A_153 = tpu.memref_slice %arg6[%squeeze3A_149, %dma_start3A_152] : memref<3x1024xf32, #tpu.memory_space<vmem>> -> memref<1x1024xf32, #tpu.memory_space<vmem>>
      %dma_start3A_154 = tpu.memref_squeeze %dma_start3A_153 : memref<1x1024xf32, #tpu.memory_space<vmem>> -> memref<1024xf32, #tpu.memory_space<vmem>>
      %dma_start3A_155 = arith.constant 0 : i32
      %dma_start3A_156 = tpu.memref_slice %arg4[%select_n3A, %add3A_151, %dma_start3A_155] : memref<4x8192x1024xf32, #tpu.memory_space<hbm>> -> memref<1x1x1024xf32, #tpu.memory_space<hbm>>
      %dma_start3A_157 = tpu.memref_squeeze %dma_start3A_156 : memref<1x1x1024xf32, #tpu.memory_space<hbm>> -> memref<1024xf32, #tpu.memory_space<hbm>>
      %dma_start3A_158 = arith.constant 0 : i32
      %dma_start3A_159 = tpu.memref_slice %arg4[%select_n3A, %add3A_151, %dma_start3A_158] : memref<4x8192x1024xf32, #tpu.memory_space<hbm>> -> memref<1x1x1024xf32, #tpu.memory_space<hbm>>
      %dma_start3A_160 = tpu.memref_squeeze %dma_start3A_159 : memref<1x1x1024xf32, #tpu.memory_space<hbm>> -> memref<1024xf32, #tpu.memory_space<hbm>>
      %dma_start3A_161 = arith.constant 0 : i32
      %dma_start3A_162 = tpu.memref_slice %arg6[%squeeze3A_149, %dma_start3A_161] : memref<3x1024xf32, #tpu.memory_space<vmem>> -> memref<1x1024xf32, #tpu.memory_space<vmem>>
      %dma_start3A_163 = tpu.memref_squeeze %dma_start3A_162 : memref<1x1024xf32, #tpu.memory_space<vmem>> -> memref<1024xf32, #tpu.memory_space<vmem>>
      tpu.enqueue_dma source(%dma_start3A_163 : memref<1024xf32, #tpu.memory_space<vmem>>) target(%dma_start3A_160 : memref<1024xf32, #tpu.memory_space<hbm>>) target_semaphore(%arg7 : memref<!tpu.dma_semaphore, #tpu.memory_space<semaphore_mem>>)
      %slice3A_164 = vector.extract_strided_slice %get3A_50 {offsets = [7], sizes = [1], strides = [1]} : vector<16xi32> to vector<1xi32>
      %squeeze3A_165 = vector.extract %slice3A_164[0] : i32 from vector<1xi32>
      %add3A_166 = arith.constant 7 : i32
      %add3A_167 = arith.addi %add3A_53, %add3A_166 : i32
      %dma_start3A_168 = arith.constant 0 : i32
      %dma_start3A_169 = tpu.memref_slice %arg6[%squeeze3A_165, %dma_start3A_168] : memref<3x1024xf32, #tpu.memory_space<vmem>> -> memref<1x1024xf32, #tpu.memory_space<vmem>>
      %dma_start3A_170 = tpu.memref_squeeze %dma_start3A_169 : memref<1x1024xf32, #tpu.memory_space<vmem>> -> memref<1024xf32, #tpu.memory_space<vmem>>
      %dma_start3A_171 = arith.constant 0 : i32
      %dma_start3A_172 = tpu.memref_slice %arg4[%select_n3A, %add3A_167, %dma_start3A_171] : memref<4x8192x1024xf32, #tpu.memory_space<hbm>> -> memref<1x1x1024xf32, #tpu.memory_space<hbm>>
      %dma_start3A_173 = tpu.memref_squeeze %dma_start3A_172 : memref<1x1x1024xf32, #tpu.memory_space<hbm>> -> memref<1024xf32, #tpu.memory_space<hbm>>
      %dma_start3A_174 = arith.constant 0 : i32
      %dma_start3A_175 = tpu.memref_slice %arg4[%select_n3A, %add3A_167, %dma_start3A_174] : memref<4x8192x1024xf32, #tpu.memory_space<hbm>> -> memref<1x1x1024xf32, #tpu.memory_space<hbm>>
      %dma_start3A_176 = tpu.memref_squeeze %dma_start3A_175 : memref<1x1x1024xf32, #tpu.memory_space<hbm>> -> memref<1024xf32, #tpu.memory_space<hbm>>
      %dma_start3A_177 = arith.constant 0 : i32
      %dma_start3A_178 = tpu.memref_slice %arg6[%squeeze3A_165, %dma_start3A_177] : memref<3x1024xf32, #tpu.memory_space<vmem>> -> memref<1x1024xf32, #tpu.memory_space<vmem>>
      %dma_start3A_179 = tpu.memref_squeeze %dma_start3A_178 : memref<1x1024xf32, #tpu.memory_space<vmem>> -> memref<1024xf32, #tpu.memory_space<vmem>>
      tpu.enqueue_dma source(%dma_start3A_179 : memref<1024xf32, #tpu.memory_space<vmem>>) target(%dma_start3A_176 : memref<1024xf32, #tpu.memory_space<hbm>>) target_semaphore(%arg7 : memref<!tpu.dma_semaphore, #tpu.memory_space<semaphore_mem>>)
      %slice3A_180 = vector.extract_strided_slice %get3A_50 {offsets = [8], sizes = [1], strides = [1]} : vector<16xi32> to vector<1xi32>
      %squeeze3A_181 = vector.extract %slice3A_180[0] : i32 from vector<1xi32>
      %add3A_182 = arith.constant 8 : i32
      %add3A_183 = arith.addi %add3A_53, %add3A_182 : i32
      %dma_start3A_184 = arith.constant 0 : i32
      %dma_start3A_185 = tpu.memref_slice %arg6[%squeeze3A_181, %dma_start3A_184] : memref<3x1024xf32, #tpu.memory_space<vmem>> -> memref<1x1024xf32, #tpu.memory_space<vmem>>
      %dma_start3A_186 = tpu.memref_squeeze %dma_start3A_185 : memref<1x1024xf32, #tpu.memory_space<vmem>> -> memref<1024xf32, #tpu.memory_space<vmem>>
      %dma_start3A_187 = arith.constant 0 : i32
      %dma_start3A_188 = tpu.memref_slice %arg4[%select_n3A, %add3A_183, %dma_start3A_187] : memref<4x8192x1024xf32, #tpu.memory_space<hbm>> -> memref<1x1x1024xf32, #tpu.memory_space<hbm>>
      %dma_start3A_189 = tpu.memref_squeeze %dma_start3A_188 : memref<1x1x1024xf32, #tpu.memory_space<hbm>> -> memref<1024xf32, #tpu.memory_space<hbm>>
      %dma_start3A_190 = arith.constant 0 : i32
      %dma_start3A_191 = tpu.memref_slice %arg4[%select_n3A, %add3A_183, %dma_start3A_190] : memref<4x8192x1024xf32, #tpu.memory_space<hbm>> -> memref<1x1x1024xf32, #tpu.memory_space<hbm>>
      %dma_start3A_192 = tpu.memref_squeeze %dma_start3A_191 : memref<1x1x1024xf32, #tpu.memory_space<hbm>> -> memref<1024xf32, #tpu.memory_space<hbm>>
      %dma_start3A_193 = arith.constant 0 : i32
      %dma_start3A_194 = tpu.memref_slice %arg6[%squeeze3A_181, %dma_start3A_193] : memref<3x1024xf32, #tpu.memory_space<vmem>> -> memref<1x1024xf32, #tpu.memory_space<vmem>>
      %dma_start3A_195 = tpu.memref_squeeze %dma_start3A_194 : memref<1x1024xf32, #tpu.memory_space<vmem>> -> memref<1024xf32, #tpu.memory_space<vmem>>
      tpu.enqueue_dma source(%dma_start3A_195 : memref<1024xf32, #tpu.memory_space<vmem>>) target(%dma_start3A_192 : memref<1024xf32, #tpu.memory_space<hbm>>) target_semaphore(%arg7 : memref<!tpu.dma_semaphore, #tpu.memory_space<semaphore_mem>>)
      %slice3A_196 = vector.extract_strided_slice %get3A_50 {offsets = [9], sizes = [1], strides = [1]} : vector<16xi32> to vector<1xi32>
      %squeeze3A_197 = vector.extract %slice3A_196[0] : i32 from vector<1xi32>
      %add3A_198 = arith.constant 9 : i32
      %add3A_199 = arith.addi %add3A_53, %add3A_198 : i32
      %dma_start3A_200 = arith.constant 0 : i32
      %dma_start3A_201 = tpu.memref_slice %arg6[%squeeze3A_197, %dma_start3A_200] : memref<3x1024xf32, #tpu.memory_space<vmem>> -> memref<1x1024xf32, #tpu.memory_space<vmem>>
      %dma_start3A_202 = tpu.memref_squeeze %dma_start3A_201 : memref<1x1024xf32, #tpu.memory_space<vmem>> -> memref<1024xf32, #tpu.memory_space<vmem>>
      %dma_start3A_203 = arith.constant 0 : i32
      %dma_start3A_204 = tpu.memref_slice %arg4[%select_n3A, %add3A_199, %dma_start3A_203] : memref<4x8192x1024xf32, #tpu.memory_space<hbm>> -> memref<1x1x1024xf32, #tpu.memory_space<hbm>>
      %dma_start3A_205 = tpu.memref_squeeze %dma_start3A_204 : memref<1x1x1024xf32, #tpu.memory_space<hbm>> -> memref<1024xf32, #tpu.memory_space<hbm>>
      %dma_start3A_206 = arith.constant 0 : i32
      %dma_start3A_207 = tpu.memref_slice %arg4[%select_n3A, %add3A_199, %dma_start3A_206] : memref<4x8192x1024xf32, #tpu.memory_space<hbm>> -> memref<1x1x1024xf32, #tpu.memory_space<hbm>>
      %dma_start3A_208 = tpu.memref_squeeze %dma_start3A_207 : memref<1x1x1024xf32, #tpu.memory_space<hbm>> -> memref<1024xf32, #tpu.memory_space<hbm>>
      %dma_start3A_209 = arith.constant 0 : i32
      %dma_start3A_210 = tpu.memref_slice %arg6[%squeeze3A_197, %dma_start3A_209] : memref<3x1024xf32, #tpu.memory_space<vmem>> -> memref<1x1024xf32, #tpu.memory_space<vmem>>
      %dma_start3A_211 = tpu.memref_squeeze %dma_start3A_210 : memref<1x1024xf32, #tpu.memory_space<vmem>> -> memref<1024xf32, #tpu.memory_space<vmem>>
      tpu.enqueue_dma source(%dma_start3A_211 : memref<1024xf32, #tpu.memory_space<vmem>>) target(%dma_start3A_208 : memref<1024xf32, #tpu.memory_space<hbm>>) target_semaphore(%arg7 : memref<!tpu.dma_semaphore, #tpu.memory_space<semaphore_mem>>)
      %slice3A_212 = vector.extract_strided_slice %get3A_50 {offsets = [10], sizes = [1], strides = [1]} : vector<16xi32> to vector<1xi32>
      %squeeze3A_213 = vector.extract %slice3A_212[0] : i32 from vector<1xi32>
      %add3A_214 = arith.constant 10 : i32
      %add3A_215 = arith.addi %add3A_53, %add3A_214 : i32
      %dma_start3A_216 = arith.constant 0 : i32
      %dma_start3A_217 = tpu.memref_slice %arg6[%squeeze3A_213, %dma_start3A_216] : memref<3x1024xf32, #tpu.memory_space<vmem>> -> memref<1x1024xf32, #tpu.memory_space<vmem>>
      %dma_start3A_218 = tpu.memref_squeeze %dma_start3A_217 : memref<1x1024xf32, #tpu.memory_space<vmem>> -> memref<1024xf32, #tpu.memory_space<vmem>>
      %dma_start3A_219 = arith.constant 0 : i32
      %dma_start3A_220 = tpu.memref_slice %arg4[%select_n3A, %add3A_215, %dma_start3A_219] : memref<4x8192x1024xf32, #tpu.memory_space<hbm>> -> memref<1x1x1024xf32, #tpu.memory_space<hbm>>
      %dma_start3A_221 = tpu.memref_squeeze %dma_start3A_220 : memref<1x1x1024xf32, #tpu.memory_space<hbm>> -> memref<1024xf32, #tpu.memory_space<hbm>>
      %dma_start3A_222 = arith.constant 0 : i32
      %dma_start3A_223 = tpu.memref_slice %arg4[%select_n3A, %add3A_215, %dma_start3A_222] : memref<4x8192x1024xf32, #tpu.memory_space<hbm>> -> memref<1x1x1024xf32, #tpu.memory_space<hbm>>
      %dma_start3A_224 = tpu.memref_squeeze %dma_start3A_223 : memref<1x1x1024xf32, #tpu.memory_space<hbm>> -> memref<1024xf32, #tpu.memory_space<hbm>>
      %dma_start3A_225 = arith.constant 0 : i32
      %dma_start3A_226 = tpu.memref_slice %arg6[%squeeze3A_213, %dma_start3A_225] : memref<3x1024xf32, #tpu.memory_space<vmem>> -> memref<1x1024xf32, #tpu.memory_space<vmem>>
      %dma_start3A_227 = tpu.memref_squeeze %dma_start3A_226 : memref<1x1024xf32, #tpu.memory_space<vmem>> -> memref<1024xf32, #tpu.memory_space<vmem>>
      tpu.enqueue_dma source(%dma_start3A_227 : memref<1024xf32, #tpu.memory_space<vmem>>) target(%dma_start3A_224 : memref<1024xf32, #tpu.memory_space<hbm>>) target_semaphore(%arg7 : memref<!tpu.dma_semaphore, #tpu.memory_space<semaphore_mem>>)
      %slice3A_228 = vector.extract_strided_slice %get3A_50 {offsets = [11], sizes = [1], strides = [1]} : vector<16xi32> to vector<1xi32>
      %squeeze3A_229 = vector.extract %slice3A_228[0] : i32 from vector<1xi32>
      %add3A_230 = arith.constant 11 : i32
      %add3A_231 = arith.addi %add3A_53, %add3A_230 : i32
      %dma_start3A_232 = arith.constant 0 : i32
      %dma_start3A_233 = tpu.memref_slice %arg6[%squeeze3A_229, %dma_start3A_232] : memref<3x1024xf32, #tpu.memory_space<vmem>> -> memref<1x1024xf32, #tpu.memory_space<vmem>>
      %dma_start3A_234 = tpu.memref_squeeze %dma_start3A_233 : memref<1x1024xf32, #tpu.memory_space<vmem>> -> memref<1024xf32, #tpu.memory_space<vmem>>
      %dma_start3A_235 = arith.constant 0 : i32
      %dma_start3A_236 = tpu.memref_slice %arg4[%select_n3A, %add3A_231, %dma_start3A_235] : memref<4x8192x1024xf32, #tpu.memory_space<hbm>> -> memref<1x1x1024xf32, #tpu.memory_space<hbm>>
      %dma_start3A_237 = tpu.memref_squeeze %dma_start3A_236 : memref<1x1x1024xf32, #tpu.memory_space<hbm>> -> memref<1024xf32, #tpu.memory_space<hbm>>
      %dma_start3A_238 = arith.constant 0 : i32
      %dma_start3A_239 = tpu.memref_slice %arg4[%select_n3A, %add3A_231, %dma_start3A_238] : memref<4x8192x1024xf32, #tpu.memory_space<hbm>> -> memref<1x1x1024xf32, #tpu.memory_space<hbm>>
      %dma_start3A_240 = tpu.memref_squeeze %dma_start3A_239 : memref<1x1x1024xf32, #tpu.memory_space<hbm>> -> memref<1024xf32, #tpu.memory_space<hbm>>
      %dma_start3A_241 = arith.constant 0 : i32
      %dma_start3A_242 = tpu.memref_slice %arg6[%squeeze3A_229, %dma_start3A_241] : memref<3x1024xf32, #tpu.memory_space<vmem>> -> memref<1x1024xf32, #tpu.memory_space<vmem>>
      %dma_start3A_243 = tpu.memref_squeeze %dma_start3A_242 : memref<1x1024xf32, #tpu.memory_space<vmem>> -> memref<1024xf32, #tpu.memory_space<vmem>>
      tpu.enqueue_dma source(%dma_start3A_243 : memref<1024xf32, #tpu.memory_space<vmem>>) target(%dma_start3A_240 : memref<1024xf32, #tpu.memory_space<hbm>>) target_semaphore(%arg7 : memref<!tpu.dma_semaphore, #tpu.memory_space<semaphore_mem>>)
      %slice3A_244 = vector.extract_strided_slice %get3A_50 {offsets = [12], sizes = [1], strides = [1]} : vector<16xi32> to vector<1xi32>
      %squeeze3A_245 = vector.extract %slice3A_244[0] : i32 from vector<1xi32>
      %add3A_246 = arith.constant 12 : i32
      %add3A_247 = arith.addi %add3A_53, %add3A_246 : i32
      %dma_start3A_248 = arith.constant 0 : i32
      %dma_start3A_249 = tpu.memref_slice %arg6[%squeeze3A_245, %dma_start3A_248] : memref<3x1024xf32, #tpu.memory_space<vmem>> -> memref<1x1024xf32, #tpu.memory_space<vmem>>
      %dma_start3A_250 = tpu.memref_squeeze %dma_start3A_249 : memref<1x1024xf32, #tpu.memory_space<vmem>> -> memref<1024xf32, #tpu.memory_space<vmem>>
      %dma_start3A_251 = arith.constant 0 : i32
      %dma_start3A_252 = tpu.memref_slice %arg4[%select_n3A, %add3A_247, %dma_start3A_251] : memref<4x8192x1024xf32, #tpu.memory_space<hbm>> -> memref<1x1x1024xf32, #tpu.memory_space<hbm>>
      %dma_start3A_253 = tpu.memref_squeeze %dma_start3A_252 : memref<1x1x1024xf32, #tpu.memory_space<hbm>> -> memref<1024xf32, #tpu.memory_space<hbm>>
      %dma_start3A_254 = arith.constant 0 : i32
      %dma_start3A_255 = tpu.memref_slice %arg4[%select_n3A, %add3A_247, %dma_start3A_254] : memref<4x8192x1024xf32, #tpu.memory_space<hbm>> -> memref<1x1x1024xf32, #tpu.memory_space<hbm>>
      %dma_start3A_256 = tpu.memref_squeeze %dma_start3A_255 : memref<1x1x1024xf32, #tpu.memory_space<hbm>> -> memref<1024xf32, #tpu.memory_space<hbm>>
      %dma_start3A_257 = arith.constant 0 : i32
      %dma_start3A_258 = tpu.memref_slice %arg6[%squeeze3A_245, %dma_start3A_257] : memref<3x1024xf32, #tpu.memory_space<vmem>> -> memref<1x1024xf32, #tpu.memory_space<vmem>>
      %dma_start3A_259 = tpu.memref_squeeze %dma_start3A_258 : memref<1x1024xf32, #tpu.memory_space<vmem>> -> memref<1024xf32, #tpu.memory_space<vmem>>
      tpu.enqueue_dma source(%dma_start3A_259 : memref<1024xf32, #tpu.memory_space<vmem>>) target(%dma_start3A_256 : memref<1024xf32, #tpu.memory_space<hbm>>) target_semaphore(%arg7 : memref<!tpu.dma_semaphore, #tpu.memory_space<semaphore_mem>>)
      %slice3A_260 = vector.extract_strided_slice %get3A_50 {offsets = [13], sizes = [1], strides = [1]} : vector<16xi32> to vector<1xi32>
      %squeeze3A_261 = vector.extract %slice3A_260[0] : i32 from vector<1xi32>
      %add3A_262 = arith.constant 13 : i32
      %add3A_263 = arith.addi %add3A_53, %add3A_262 : i32
      %dma_start3A_264 = arith.constant 0 : i32
      %dma_start3A_265 = tpu.memref_slice %arg6[%squeeze3A_261, %dma_start3A_264] : memref<3x1024xf32, #tpu.memory_space<vmem>> -> memref<1x1024xf32, #tpu.memory_space<vmem>>
      %dma_start3A_266 = tpu.memref_squeeze %dma_start3A_265 : memref<1x1024xf32, #tpu.memory_space<vmem>> -> memref<1024xf32, #tpu.memory_space<vmem>>
      %dma_start3A_267 = arith.constant 0 : i32
      %dma_start3A_268 = tpu.memref_slice %arg4[%select_n3A, %add3A_263, %dma_start3A_267] : memref<4x8192x1024xf32, #tpu.memory_space<hbm>> -> memref<1x1x1024xf32, #tpu.memory_space<hbm>>
      %dma_start3A_269 = tpu.memref_squeeze %dma_start3A_268 : memref<1x1x1024xf32, #tpu.memory_space<hbm>> -> memref<1024xf32, #tpu.memory_space<hbm>>
      %dma_start3A_270 = arith.constant 0 : i32
      %dma_start3A_271 = tpu.memref_slice %arg4[%select_n3A, %add3A_263, %dma_start3A_270] : memref<4x8192x1024xf32, #tpu.memory_space<hbm>> -> memref<1x1x1024xf32, #tpu.memory_space<hbm>>
      %dma_start3A_272 = tpu.memref_squeeze %dma_start3A_271 : memref<1x1x1024xf32, #tpu.memory_space<hbm>> -> memref<1024xf32, #tpu.memory_space<hbm>>
      %dma_start3A_273 = arith.constant 0 : i32
      %dma_start3A_274 = tpu.memref_slice %arg6[%squeeze3A_261, %dma_start3A_273] : memref<3x1024xf32, #tpu.memory_space<vmem>> -> memref<1x1024xf32, #tpu.memory_space<vmem>>
      %dma_start3A_275 = tpu.memref_squeeze %dma_start3A_274 : memref<1x1024xf32, #tpu.memory_space<vmem>> -> memref<1024xf32, #tpu.memory_space<vmem>>
      tpu.enqueue_dma source(%dma_start3A_275 : memref<1024xf32, #tpu.memory_space<vmem>>) target(%dma_start3A_272 : memref<1024xf32, #tpu.memory_space<hbm>>) target_semaphore(%arg7 : memref<!tpu.dma_semaphore, #tpu.memory_space<semaphore_mem>>)
      %slice3A_276 = vector.extract_strided_slice %get3A_50 {offsets = [14], sizes = [1], strides = [1]} : vector<16xi32> to vector<1xi32>
      %squeeze3A_277 = vector.extract %slice3A_276[0] : i32 from vector<1xi32>
      %add3A_278 = arith.constant 14 : i32
      %add3A_279 = arith.addi %add3A_53, %add3A_278 : i32
      %dma_start3A_280 = arith.constant 0 : i32
      %dma_start3A_281 = tpu.memref_slice %arg6[%squeeze3A_277, %dma_start3A_280] : memref<3x1024xf32, #tpu.memory_space<vmem>> -> memref<1x1024xf32, #tpu.memory_space<vmem>>
      %dma_start3A_282 = tpu.memref_squeeze %dma_start3A_281 : memref<1x1024xf32, #tpu.memory_space<vmem>> -> memref<1024xf32, #tpu.memory_space<vmem>>
      %dma_start3A_283 = arith.constant 0 : i32
      %dma_start3A_284 = tpu.memref_slice %arg4[%select_n3A, %add3A_279, %dma_start3A_283] : memref<4x8192x1024xf32, #tpu.memory_space<hbm>> -> memref<1x1x1024xf32, #tpu.memory_space<hbm>>
      %dma_start3A_285 = tpu.memref_squeeze %dma_start3A_284 : memref<1x1x1024xf32, #tpu.memory_space<hbm>> -> memref<1024xf32, #tpu.memory_space<hbm>>
      %dma_start3A_286 = arith.constant 0 : i32
      %dma_start3A_287 = tpu.memref_slice %arg4[%select_n3A, %add3A_279, %dma_start3A_286] : memref<4x8192x1024xf32, #tpu.memory_space<hbm>> -> memref<1x1x1024xf32, #tpu.memory_space<hbm>>
      %dma_start3A_288 = tpu.memref_squeeze %dma_start3A_287 : memref<1x1x1024xf32, #tpu.memory_space<hbm>> -> memref<1024xf32, #tpu.memory_space<hbm>>
      %dma_start3A_289 = arith.constant 0 : i32
      %dma_start3A_290 = tpu.memref_slice %arg6[%squeeze3A_277, %dma_start3A_289] : memref<3x1024xf32, #tpu.memory_space<vmem>> -> memref<1x1024xf32, #tpu.memory_space<vmem>>
      %dma_start3A_291 = tpu.memref_squeeze %dma_start3A_290 : memref<1x1024xf32, #tpu.memory_space<vmem>> -> memref<1024xf32, #tpu.memory_space<vmem>>
      tpu.enqueue_dma source(%dma_start3A_291 : memref<1024xf32, #tpu.memory_space<vmem>>) target(%dma_start3A_288 : memref<1024xf32, #tpu.memory_space<hbm>>) target_semaphore(%arg7 : memref<!tpu.dma_semaphore, #tpu.memory_space<semaphore_mem>>)
      %slice3A_292 = vector.extract_strided_slice %get3A_50 {offsets = [15], sizes = [1], strides = [1]} : vector<16xi32> to vector<1xi32>
      %squeeze3A_293 = vector.extract %slice3A_292[0] : i32 from vector<1xi32>
      %add3A_294 = arith.constant 15 : i32
      %add3A_295 = arith.addi %add3A_53, %add3A_294 : i32
      %dma_start3A_296 = arith.constant 0 : i32
      %dma_start3A_297 = tpu.memref_slice %arg6[%squeeze3A_293, %dma_start3A_296] : memref<3x1024xf32, #tpu.memory_space<vmem>> -> memref<1x1024xf32, #tpu.memory_space<vmem>>
      %dma_start3A_298 = tpu.memref_squeeze %dma_start3A_297 : memref<1x1024xf32, #tpu.memory_space<vmem>> -> memref<1024xf32, #tpu.memory_space<vmem>>
      %dma_start3A_299 = arith.constant 0 : i32
      %dma_start3A_300 = tpu.memref_slice %arg4[%select_n3A, %add3A_295, %dma_start3A_299] : memref<4x8192x1024xf32, #tpu.memory_space<hbm>> -> memref<1x1x1024xf32, #tpu.memory_space<hbm>>
      %dma_start3A_301 = tpu.memref_squeeze %dma_start3A_300 : memref<1x1x1024xf32, #tpu.memory_space<hbm>> -> memref<1024xf32, #tpu.memory_space<hbm>>
      %dma_start3A_302 = arith.constant 0 : i32
      %dma_start3A_303 = tpu.memref_slice %arg4[%select_n3A, %add3A_295, %dma_start3A_302] : memref<4x8192x1024xf32, #tpu.memory_space<hbm>> -> memref<1x1x1024xf32, #tpu.memory_space<hbm>>
      %dma_start3A_304 = tpu.memref_squeeze %dma_start3A_303 : memref<1x1x1024xf32, #tpu.memory_space<hbm>> -> memref<1024xf32, #tpu.memory_space<hbm>>
      %dma_start3A_305 = arith.constant 0 : i32
      %dma_start3A_306 = tpu.memref_slice %arg6[%squeeze3A_293, %dma_start3A_305] : memref<3x1024xf32, #tpu.memory_space<vmem>> -> memref<1x1024xf32, #tpu.memory_space<vmem>>
      %dma_start3A_307 = tpu.memref_squeeze %dma_start3A_306 : memref<1x1024xf32, #tpu.memory_space<vmem>> -> memref<1024xf32, #tpu.memory_space<vmem>>
      tpu.enqueue_dma source(%dma_start3A_307 : memref<1024xf32, #tpu.memory_space<vmem>>) target(%dma_start3A_304 : memref<1024xf32, #tpu.memory_space<hbm>>) target_semaphore(%arg7 : memref<!tpu.dma_semaphore, #tpu.memory_space<semaphore_mem>>)
    }
    %scan3A_39 = arith.constant 64 : i32
    %dma_wait3A_40 = arith.constant 0 : i32
    %dma_wait3A_41 = tpu.memref_slice %arg4[%select_n3A, %mul3A_32, %dma_wait3A_40] : memref<4x8192x1024xf32, #tpu.memory_space<hbm>> -> memref<1x1024x1024xf32, #tpu.memory_space<hbm>>
    %dma_wait3A_42 = arith.constant 0 : i32
    %dma_wait3A_43 = tpu.memref_slice %arg4[%select_n3A, %mul3A_32, %dma_wait3A_42] : memref<4x8192x1024xf32, #tpu.memory_space<hbm>> -> memref<1x1024x1024xf32, #tpu.memory_space<hbm>>
    tpu.wait_dma2 semaphore(%arg7 : memref<!tpu.dma_semaphore, #tpu.memory_space<semaphore_mem>>) src(%dma_wait3A_43 : memref<1x1024x1024xf32, #tpu.memory_space<hbm>>) dst(%dma_wait3A_41 : memref<1x1024x1024xf32, #tpu.memory_space<hbm>>)
    return
  }
}

</mosaic_0001>

<sc_bundles>
// kernel: _lookup.3.cloned.1.call-start
scs
__scs_entry_jumppad:
0x0: {  	(pc) =	sbr.rel $0x88, $3  }
0x1: {  	(tag) =	ssettag $0x0;
	lr =	simm.s32 $0x1  }
0x2: {  	[smem:$0x3F9F] =	sst lr;
	_ =	strace $0xD0000000  }
0x3: {  	_ = 	snop  }
0x4: {  	_ = 	snop  }
0x5: {  	_ = 	snop  }
0x6: {  	_ = 	snop  }
0x7: {  	_ = 	snop  }
__scs_overlays_trampoline_lowered:
0x8: {  	[smem:$0x3FAE] =	sst s0  }
0x9: {  	[smem:$0x3FAF] =	sst s1  }
0xa: {  	[smem:$0x3FB0] =	sst s2  }
0xb: {  	[smem:$0x3FB1] =	sst s3  }
0xc: {  	[smem:$0x3FB2] =	sst s4  }
0xd: {  	[smem:$0x3FB3] =	sst s5  }
0xe: {  	[smem:$0x3FB4] =	sst s6  }
0xf: {  	[smem:$0x3FB5] =	sst s7  }
0x10: {  	[smem:$0x3FB6] =	sst s8  }
0x11: {  	[smem:$0x3FB7] =	sst s9;
	s0 =	simm.s32 @!p0 $0x0  }
0x12: {  	s1 =	sld [smem:$0x3F9D];
	s0 =	simm.s32 @p0 $0x1  }
0x13: {  	[smem:$0x3FB8] =	sst s0;
	s0 =	simm.s32 @!p1 $0x0  }
0x14: {  	s2 =	sld [smem:$0x3F9C];
	s0 =	simm.s32 @p1 $0x1  }
0x15: {  	[smem:$0x3FB9] =	sst s0;
	s0 =	simm.s32 @!p2 $0x0  }
0x16: {  	s3 =	sld [smem:$0x3FDB];
	s0 =	simm.s32 @p2 $0x1  }
0x17: {  	s4 =	simm.s32 $0x1BF5;
	[smem:$0x3FBB] =	sst s0  }
0x18: {  	s0 =	sld [smem:$0x3F9E];
	_ =	swait.ge [sflag:s4], $0x0  }
0x19: {  	s7 =	sld [smem:$0x3F9F]  }
0x1a: {  	s8 =	sadd.s32 $0xFFFFE003, lr  }
0x1b: {  	s9 =	sadd.s32 $0xFFFFFEF7, lr;
	s5 =	simm.s32 $0xFFFFFFFF;
	p2 =	slt.u32 s8, $0xFFFFF086  }
0x1c: {  	p1 =	slt.u32 s9, $0xF7A;
	s5 =	simm.s32 @!p2 $0x0  }
0x1d: {  	s5 =	simm.s32 @p1 $0x1;
	p0 =	seq.s32 s7, s2  }
0x1e: {  	s7 =	smul.u32 @!p0 $0xF7A, s2;
	p2 =	seq.s32 @!p0 s5, $0x0  }
0x1f: {  	s9 =	smul.u32 $0xF7A, s1;
	s8 =	simm.s32 @!p0 $0x1BF5;
	p2 =	por !p2, p0  }
0x20: {  	[sflag:s8] =	ssyncset.s32 @!p0 $0xFFFFF086;
	s6 =	sadd.s32 @!p0 s3, s7;
	s7 =	simm.s32 @!p0 $0x108  }
0x21: {  	s3 =	sadd.s32 s3, s9;
	s6 =	sadd.s32 @!p0 $0x88, s6;
	s7 =	simm.s32 @p2 $0x1082  }
0x22: {  	[simem:s7], [sflag:s8] =	dma.local @!p0 [hbm:s6], $0xF7A  }
0x23: {  	s9 =	sor.u32 $0xD0000000, s2;
	s6 =	simm.s32 $0x108;
	_ =	swait.ge @!p0 [sflag:s8], $0x0  }
0x24: {  	s3 =	sadd.s32 $0x88, s3;
	s6 =	simm.s32 @!p1 $0x1082;
	[sflag:s4] =	ssyncset.s32 $0xFFFFF086  }
0x25: {  	[simem:s6], [sflag:s4] =	dma.local [hbm:s3], $0xF7A  }
0x26: {  	[smem:$0x3F9F] =	sst s1;
	(tag) =	ssettag s2;
	_ =	strace s9  }
0x27: {  	s1 =	sld [smem:$0x3FAF]  }
0x28: {  	s2 =	sld [smem:$0x3FB0]  }
0x29: {  	s4 =	sld [smem:$0x3FB2]  }
0x2a: {  	p0 =	seq.s32 s5, $0x0;
	s5 =	sld [smem:$0x3FB3]  }
0x2b: {  	s6 =	sld [smem:$0x3FB4]  }
0x2c: {  	s7 =	sld [smem:$0x3FB5]  }
0x2d: {  	s3 =	simm.s32 $0x108;
	s8 =	sld [smem:$0x3FB6]  }
0x2e: {  	s3 =	simm.s32 @!p0 $0x1082;
	s9 =	sld [smem:$0x3FB7]  }
0x2f: {  	lr =	sadd.s32 s0, s3;
	s0 =	sld [smem:$0x3FAE]  }
0x30: {  	s3 =	sld [smem:$0x3FB1]  }
0x31: {  	[smem:$0x3FBA] =	sst s10  }
0x32: {  	s10 =	sld [smem:$0x3FB8];
	_ =	sdelay $0x3  }
0x33: {  	p0 =	seq.s32 s10, $0x1;
	s10 =	sld [smem:$0x3FBA];
	_ =	sdelay $0x3  }
0x34: {  	[smem:$0x3FBA] =	sst s10  }
0x35: {  	s10 =	sld [smem:$0x3FB9];
	_ =	sdelay $0x3  }
0x36: {  	p1 =	seq.s32 s10, $0x1;
	s10 =	sld [smem:$0x3FBA];
	_ =	sdelay $0x3  }
0x37: {  	[smem:$0x3FBA] =	sst s10  }
0x38: {  	s10 =	sld [smem:$0x3FBB]  }
0x39: {  	_ = 	snop;
	(pc) =	sbr.ind lr, $3  }
0x3a: {  	_ = 	snop  }
0x3b: {  	_ = 	snop  }
0x3c: {  	p2 =	seq.s32 s10, $0x1;
	s10 =	sld [smem:$0x3FBA]  }
0x3d: {  	_ =	shalt  }
0x3e: {  	_ =	shalt  }
0x3f: {  	_ =	shalt  }
0x40: {  	_ =	shalt  }
0x41: {  	_ =	shalt  }
0x42: {  	_ =	shalt  }
0x43: {  	_ =	shalt  }
0x44: {  	_ =	shalt  }
0x45: {  	_ =	shalt  }
0x46: {  	_ =	shalt  }
0x47: {  	_ =	shalt  }
0x48: {  	_ =	shalt  }
0x49: {  	_ =	shalt  }
0x4a: {  	_ =	shalt  }
0x4b: {  	_ =	shalt  }
0x4c: {  	_ =	shalt  }
0x4d: {  	_ =	shalt  }
0x4e: {  	_ =	shalt  }
0x4f: {  	_ =	shalt  }
0x50: {  	_ =	shalt  }
0x51: {  	_ =	shalt  }
0x52: {  	_ =	shalt  }
0x53: {  	_ =	shalt  }
0x54: {  	_ =	shalt  }
0x55: {  	_ =	shalt  }
0x56: {  	_ =	shalt  }
0x57: {  	_ =	shalt  }
0x58: {  	_ =	shalt  }
0x59: {  	_ =	shalt  }
0x5a: {  	_ =	shalt  }
0x5b: {  	_ =	shalt  }
0x5c: {  	_ =	shalt  }
0x5d: {  	_ =	shalt  }
0x5e: {  	_ =	shalt  }
0x5f: {  	_ =	shalt  }
0x60: {  	_ =	shalt  }
0x61: {  	_ =	shalt  }
0x62: {  	_ =	shalt  }
0x63: {  	_ =	shalt  }
0x64: {  	_ =	shalt  }
0x65: {  	_ =	shalt  }
0x66: {  	_ =	shalt  }
0x67: {  	_ =	shalt  }
0x68: {  	_ =	shalt  }
0x69: {  	_ =	shalt  }
0x6a: {  	_ =	shalt  }
0x6b: {  	_ =	shalt  }
0x6c: {  	_ =	shalt  }
0x6d: {  	_ =	shalt  }
0x6e: {  	_ =	shalt  }
0x6f: {  	_ =	shalt  }
0x70: {  	_ =	shalt  }
0x71: {  	_ =	shalt  }
0x72: {  	_ =	shalt  }
0x73: {  	_ =	shalt  }
0x74: {  	_ =	shalt  }
0x75: {  	_ =	shalt  }
0x76: {  	_ =	shalt  }
0x77: {  	_ =	shalt  }
0x78: {  	_ =	shalt  }
0x79: {  	_ =	shalt  }
0x7a: {  	_ =	shalt  }
0x7b: {  	_ =	shalt  }
0x7c: {  	_ =	shalt  }
0x7d: {  	_ =	shalt  }
0x7e: {  	_ =	shalt  }
0x7f: {  	_ =	shalt  }
0x80: {  	_ =	shalt  }
0x81: {  	_ =	shalt  }
0x82: {  	_ =	shalt  }
0x83: {  	_ =	shalt  }
0x84: {  	_ =	shalt  }
0x85: {  	_ =	shalt  }
0x86: {  	_ =	shalt  }
0x87: {  	_ =	shalt  }
.Lfunc_end0:
.L_simem_size_0:
called_computation_lowered:
.L_overlay_start_0:
0x88: {  	s2 =	sld [smem:$0x3FD9]  }
0x89: {  	s3 =	sld [smem:$0x3FFE];
	_ =	sdelay $0x1  }
0x8a: {  	s1 =	srdreg.scid  }
0x8b: {  	s0 =	sand.u32 $0x1, s1  }
0x8c: {  	s18 =	sshll.u32 s0, $0xA;
	s2 =	sadd.s32 s3, s2  }
0x8d: {  	s2 =	sadd.s32 s2, s18  }
0x8e: {  	[smem:$0x3FC6] =	sst s2  }
0x8f: {  	_ = 	snop  }
0x90: {  	s2 =	sld [smem:$0x3FC9]  }
0x91: {  	s19 =	sld [smem:$0x3FC8]  }
0x92: {  	s4 =	sld [smem:$0x3FD0];
	(tm) =	ssettm $0x1  }
0x93: {  	s5 =	sld [smem:$0x3FFB];
	_ =	sdelay $0x3  }
0x94: {  	_ =	strace s5  }
0x95: {  	s5 =	sld [smem:$0x3FFC];
	_ =	sdelay $0x3  }
0x96: {  	_ =	strace s5  }
0x97: {  	s5 =	sld [smem:$0x3FFD];
	_ =	sdelay $0x3  }
0x98: {  	_ =	strace s5  }
0x99: {  	_ =	strace $0x8FFFFFFF  }
0x9a: {  	s20 =	sld [smem:$0x3FDB];
	_ =	sdelay $0x1  }
0x9b: {  	s6 =	simm.s32 $_scs_section_size  }
0x9c: {  	s7 =	simm.s32 $_size__tile_overlayer_lowered;
	s8 =	simm.s32 $_tile_overlayer_lowered  }
0x9d: {  	s23 =	simm.s32 $0x1BFF;
	s22 =	sshll.u32 s8, $0x1;
	s5 =	sadd.s32 s6, s20  }
0x9e: {  	s9 =	simm.s32 $0x0;
	s21 =	sshll.u32 s7, $0x1;
	s7 =	sadd.s32 s22, s5  }
0x9f: {  	[timem:s9], [sflag:s23] =	dma.local [hbm:s7], s21  }
0xa0: {  	_ =	swait.ge [sflag:s23], s21  }
0xa1: {  	s6 =	ssub.s32 $0x0, s21;
	[sflag:s23] =	ssyncset.done $0x0  }
0xa2: {  	[sflag:s23] =	ssyncadd.s32 s6;
	_ =	sdelay $0x1  }
0xa3: {  	s24 =	simm.s32 $0x1B8B  }
0xa4: {  	_ =	swait.ge [sflag:s24], $0x1  }
0xa5: {  	[sflag:s24] =	ssyncset.done $0x0  }
0xa6: {  	s25 =	simm.s32 $0x1B8E;
	[sflag:s24] =	ssyncadd.s32 $0xFFFFFFFF  }
0xa7: {  	s26 =	simm.s32 $execute0_lowered;
	[smem:$0x3FD2] =	sst s25  }
0xa8: {  	s6 =	sshll.u32 s26, $0x1;
	_ =	strace $0x80000046;
	[dreg:$0x1] =	wrdreg $0xFFFFFFFF  }
0xa9: {  	s28 =	simm.s32 $_size_execute0_lowered;
	s5 =	sadd.s32 s5, s6;
	[dreg:$0x0] =	wrdreg $0x0  }
0xaa: {  	s6 =	sshll.u32 s28, $0x1;
	[dreg:$0x2] =	wrdreg s5  }
0xab: {  	[dreg:$0x3] =	wrdreg s6  }
0xac: {  	[dreg:$0x4] =	wrdreg $0xC0  }
0xad: {  	_ =	task [dreg:s9], $0x5FFFF  }
0xae: {  	[dreg:$0x1] =	wrdreg $0xFFFFFFFF  }
0xaf: {  	[dreg:$0x0] =	wrdreg $0x60  }
0xb0: {  	[dreg:$0x2] =	wrdreg s2  }
0xb1: {  	[dreg:$0x3] =	wrdreg s19  }
0xb2: {  	[dreg:$0x4] =	wrdreg s4  }
0xb3: {  	[dreg:$0x5] =	wrdreg $0x9  }
0xb4: {  	_ =	task.clear_ibuf [dreg:s9], $0x6FFFF;
	_ =	strace $0x90000046  }
0xb5: {  	s29 =	simm.s32 $0x9;
	_ =	strace $0x80000048  }
0xb6: {  	_ =	swait.ge [sflag:s29], $0x1  }
0xb7: {  	[sflag:s29] =	ssyncadd.s32 $0xFFFFFFFF  }
0xb8: {  	_ =	strace $0x90000048  }
0xb9: {  	_ =	sfence  }
0xba: {  	s30 =	sld [smem:$0x0];
	_ =	sdelay $0x2  }
0xbb: {  	s31 =	sshll.u32 s1, $0xD;
	s1 =	sshrl.u32 s1, $0x2  }
0xbc: {  	s3 =	sand.u32 $0x4000, s31;
	s1 =	sadd.s32 s1, s30  }
0xbd: {  	s0 =	sor.u32 s3, s0;
	s1 =	sshll.u32 s1, $0x11  }
0xbe: {  	s0 =	sor.u32 s1, s0  }
0xbf: {  	s0 =	sadd.s32 $0x8F2B, s0  }
0xc0: {  	[sflag:s0] =	ssyncadd.remote.s32 $0x1  }
0xc1: {  	_ =	sfence.sel $0xFFFF  }
0xc2: {  	[dreg:$0x0] =	wrdreg $0xFFFFFFFF;
	(pc) =	sbr.abs _section_cstart, $3  }
0xc3: {  	[dreg:$0x1] =	wrdreg $0xFFFFFFFF  }
0xc4: {  	_ =	task.clear_ibuf [dreg:s9], $0x2FFFF;
	_ =	strace $0x9FFFFFFF  }
0xc5: {  	(tm) =	ssettm $0x7FFFFFFF  }
tec
execute0_lowered:
.L_overlay_start_1:
0x0: {  	(tag) =	ssettag $0x1  }
0x1: {  	s4 =	rddreg [dreg:$0x0]  }
0x2: {  	s0 =	srdreg.scid;
	s1 =	rddreg [dreg:$0x1]  }
0x3: {  	s6 =	rddreg [dreg:$0x2];
	s2 =	stileid.u32;
	s5 =	sand.u32 $0x1, s0  }
0x4: {  	s0 =	rddreg [dreg:$0x3];
	s8 =	sshrl.u32 s2, $0x2;
	s30 =	sand.u32 $0x3, s2  }
0x5: {  	s9 =	sshll.u32 s2, $0x1;
	s3 =	ssub.s32 $0x2, s5;
	s10 =	sshll.u32 s8, $0x17  }
0x6: {  	s9 =	sand.u32 $0x6, s9;
	s8 =	sshll.u32 s8, $0x4;
	s7 =	sshrl.u32 s3, $0x1  }
0x7: {  	s9 =	sor.u32 s5, s9;
	s5 =	sshll.u32 s5, $0x14;
	s4 =	sadd.s32 s4, s8  }
0x8: {  	s8 =	simm.s32 $0x200;
	s7 =	ssub.s32 s3, s7;
	s3 =	sshll.u32 s30, $0x15  }
0x9: {  	s9 =	sshll.u32 s9, $0x9;
	s10 =	sor.u32 s3, s10;
	s3 =	simm.s32 $0x0  }
0xa: {  	s4 =	sadd.s32 s9, s4;
	s9 =	simm.s32 $0x1;
	s5 =	sor.u32 s5, s10  }
0xb: {  	[smem:$0x7FF] =	sst s3;
	s10 =	simm.s32 $0x0;
	s31 =	sshrl.u32 s5, $0x3  }
0xc: {  	_ =	strace $0x80000047;
	s5 =	smax.u32 s7, $0x1;
	s6 =	sadd.s32 s31, s6  }
0xd: {  	s7 =	simm.s32 $0x80;
	[dreg:$0x4] =	wrdreg s6;
	s6 =	simm.s32 $0x400  }
.LBB2_1:
0xe: {  	[tilespmem:s6], [sflag:$0x1] =	stream.linear.gather [hbm4b:s1+s3], $0x1000, $0x38;
	[tilespmem:$0x1400] =	vst v63  }
0xf: {  	_ = 	snop  }
0x10: {  	[tilespmem:s3], [sflag:$0x1] =	stream.strided.gather [hbm4b:s4+s7], $0x400, s8, s7, $0x38;
	[tilespmem:$0x1400] =	vst v63  }
0x11: {  	_ =	swait.ge [sflag:s9], $0x1000  }
0x12: {  	[sflag:s9] =	ssyncset.done $0x0  }
0x13: {  	[sflag:s9] =	ssyncadd.s32 $0xFFFFF000  }
0x14: {  	_ =	swait.ge [sflag:s9], $0x400  }
0x15: {  	[sflag:s9] =	ssyncset.done $0x0  }
0x16: {  	s11 =	simm.s32 $0x0;
	s12 =	simm.s32 $0x0;
	[sflag:s9] =	ssyncadd.s32 $0xFFFFFC00  }
.LBB2_2:
0x17: {  	v0 =	vld [tilespmem:s11+$0x0];
	_ =	sdelay $0x4  }
0x18: {  	(v2sf) =	vpush v0, $0x0;
	_ =	sdelay $0xe  }
0x19: {  	s13 =	spop (v2sf)  }
0x1a: {  	(v2sf) =	vpush v0, $0x1;
	s15 =	sshll.u32 s13, $0xA;
	s13 =	sshll.u32 s13, $0x7  }
0x1b: {  	s15 =	sand.u32 $0xFFFFF000, s15;
	s13 =	sand.u32 $0x180, s13  }
0x1c: {  	s14 =	rddreg [dreg:$0x4];
	s15 =	sor.u32 s13, s15  }
0x1d: {  	s13 =	sadd.s32 s12, s14;
	s19 =	sor.u32 $0x400, s15  }
0x1e: {  	[hbm4b:s13+s3] =	stream.linear.scatter [tilespmem:s19], [sflag:$0x1], $0x80, $0x38;
	[tilespmem:$0x1400] =	vst v63  }
0x1f: {  	s20 =	sor.u32 $0x600, s15;
	s16 =	sadd.s32 $0x80, s13  }
0x20: {  	[hbm4b:s16+s3] =	stream.linear.scatter [tilespmem:s20], [sflag:$0x1], $0x80, $0x38;
	[tilespmem:$0x1400] =	vst v63  }
0x21: {  	s21 =	sor.u32 $0x800, s15;
	s22 =	sadd.s32 $0x100, s13  }
0x22: {  	[hbm4b:s22+s3] =	stream.linear.scatter [tilespmem:s21], [sflag:$0x1], $0x80, $0x38;
	[tilespmem:$0x1400] =	vst v63  }
0x23: {  	s23 =	sor.u32 $0xA00, s15;
	s24 =	sadd.s32 $0x180, s13  }
0x24: {  	[hbm4b:s24+s3] =	stream.linear.scatter [tilespmem:s23], [sflag:$0x1], $0x80, $0x38;
	[tilespmem:$0x1400] =	vst v63  }
0x25: {  	s25 =	sor.u32 $0xC00, s15;
	s26 =	sadd.s32 $0x200, s13  }
0x26: {  	[hbm4b:s26+s3] =	stream.linear.scatter [tilespmem:s25], [sflag:$0x1], $0x80, $0x38;
	[tilespmem:$0x1400] =	vst v63  }
0x27: {  	s28 =	sor.u32 $0xE00, s15;
	s29 =	sadd.s32 $0x280, s13  }
0x28: {  	[hbm4b:s29+s3] =	stream.linear.scatter [tilespmem:s28], [sflag:$0x1], $0x80, $0x38;
	[tilespmem:$0x1400] =	vst v63  }
0x29: {  	s30 =	sadd.s32 $0x1000, s15;
	s19 =	spop (v2sf)  }
0x2a: {  	s31 =	sadd.s32 $0x300, s13;
	s20 =	sshll.u32 s19, $0xA;
	s14 =	sshll.u32 s19, $0x7  }
0x2b: {  	[hbm4b:s31+s3] =	stream.linear.scatter [tilespmem:s30], [sflag:$0x1], $0x80, $0x38;
	[tilespmem:$0x1400] =	vst v63  }
0x2c: {  	s17 =	sadd.s32 $0x1200, s15;
	s15 =	sand.u32 $0xFFFFF000, s20;
	s14 =	sand.u32 $0x180, s14  }
0x2d: {  	s18 =	sadd.s32 $0x380, s13;
	s14 =	sor.u32 s14, s15  }
0x2e: {  	(v2sf) =	vpush v0, $0x2;
	[hbm4b:s18+s3] =	stream.linear.scatter [tilespmem:s17], [sflag:$0x1], $0x80, $0x38;
	[tilespmem:$0x1400] =	vst v63  }
0x2f: {  	s21 =	sadd.s32 $0x10, s13;
	s22 =	sor.u32 $0x400, s14  }
0x30: {  	[hbm4b:s21+s3] =	stream.linear.scatter [tilespmem:s22], [sflag:$0x1], $0x80, $0x38;
	[tilespmem:$0x1400] =	vst v63  }
0x31: {  	s24 =	sadd.s32 $0x90, s13;
	s23 =	sor.u32 $0x600, s14  }
0x32: {  	[hbm4b:s24+s3] =	stream.linear.scatter [tilespmem:s23], [sflag:$0x1], $0x80, $0x38;
	[tilespmem:$0x1400] =	vst v63  }
0x33: {  	s26 =	sadd.s32 $0x110, s13;
	s25 =	sor.u32 $0x800, s14  }
0x34: {  	[hbm4b:s26+s3] =	stream.linear.scatter [tilespmem:s25], [sflag:$0x1], $0x80, $0x38;
	[tilespmem:$0x1400] =	vst v63  }
0x35: {  	s29 =	sadd.s32 $0x190, s13;
	s28 =	sor.u32 $0xA00, s14  }
0x36: {  	[hbm4b:s29+s3] =	stream.linear.scatter [tilespmem:s28], [sflag:$0x1], $0x80, $0x38;
	[tilespmem:$0x1400] =	vst v63  }
0x37: {  	s31 =	sadd.s32 $0x210, s13;
	s30 =	sor.u32 $0xC00, s14  }
0x38: {  	[hbm4b:s31+s3] =	stream.linear.scatter [tilespmem:s30], [sflag:$0x1], $0x80, $0x38;
	[tilespmem:$0x1400] =	vst v63  }
0x39: {  	s16 =	sor.u32 $0xE00, s14;
	s17 =	sadd.s32 $0x290, s13  }
0x3a: {  	[hbm4b:s17+s3] =	stream.linear.scatter [tilespmem:s16], [sflag:$0x1], $0x80, $0x38;
	[tilespmem:$0x1400] =	vst v63  }
0x3b: {  	s19 =	sadd.s32 $0x310, s13;
	s18 =	sadd.s32 $0x1000, s14  }
0x3c: {  	[hbm4b:s19+s3] =	stream.linear.scatter [tilespmem:s18], [sflag:$0x1], $0x80, $0x38;
	[tilespmem:$0x1400] =	vst v63  }
0x3d: {  	s20 =	sadd.s32 $0x390, s13;
	s14 =	sadd.s32 $0x1200, s14;
	s21 =	spop (v2sf)  }
0x3e: {  	[hbm4b:s20+s3] =	stream.linear.scatter [tilespmem:s14], [sflag:$0x1], $0x80, $0x38;
	[tilespmem:$0x1400] =	vst v63  }
0x3f: {  	s22 =	sshll.u32 s21, $0xA;
	s14 =	sshll.u32 s21, $0x7  }
0x40: {  	s15 =	sand.u32 $0xFFFFF000, s22;
	s14 =	sand.u32 $0x180, s14  }
0x41: {  	(v2sf) =	vpush v0, $0x3;
	s14 =	sor.u32 s14, s15  }
0x42: {  	s23 =	sadd.s32 $0x20, s13;
	s24 =	sor.u32 $0x400, s14  }
0x43: {  	[hbm4b:s23+s3] =	stream.linear.scatter [tilespmem:s24], [sflag:$0x1], $0x80, $0x38;
	[tilespmem:$0x1400] =	vst v63  }
0x44: {  	s26 =	sadd.s32 $0xA0, s13;
	s25 =	sor.u32 $0x600, s14  }
0x45: {  	[hbm4b:s26+s3] =	stream.linear.scatter [tilespmem:s25], [sflag:$0x1], $0x80, $0x38;
	[tilespmem:$0x1400] =	vst v63  }
0x46: {  	s29 =	sadd.s32 $0x120, s13;
	s28 =	sor.u32 $0x800, s14  }
0x47: {  	[hbm4b:s29+s3] =	stream.linear.scatter [tilespmem:s28], [sflag:$0x1], $0x80, $0x38;
	[tilespmem:$0x1400] =	vst v63  }
0x48: {  	s31 =	sadd.s32 $0x1A0, s13;
	s30 =	sor.u32 $0xA00, s14  }
0x49: {  	[hbm4b:s31+s3] =	stream.linear.scatter [tilespmem:s30], [sflag:$0x1], $0x80, $0x38;
	[tilespmem:$0x1400] =	vst v63  }
0x4a: {  	s17 =	sadd.s32 $0x220, s13;
	s16 =	sor.u32 $0xC00, s14  }
0x4b: {  	[hbm4b:s17+s3] =	stream.linear.scatter [tilespmem:s16], [sflag:$0x1], $0x80, $0x38;
	[tilespmem:$0x1400] =	vst v63  }
0x4c: {  	s19 =	sadd.s32 $0x2A0, s13;
	s18 =	sor.u32 $0xE00, s14  }
0x4d: {  	[hbm4b:s19+s3] =	stream.linear.scatter [tilespmem:s18], [sflag:$0x1], $0x80, $0x38;
	[tilespmem:$0x1400] =	vst v63  }
0x4e: {  	s21 =	sadd.s32 $0x320, s13;
	s20 =	sadd.s32 $0x1000, s14  }
0x4f: {  	[hbm4b:s21+s3] =	stream.linear.scatter [tilespmem:s20], [sflag:$0x1], $0x80, $0x38;
	[tilespmem:$0x1400] =	vst v63  }
0x50: {  	s22 =	sadd.s32 $0x3A0, s13;
	s14 =	sadd.s32 $0x1200, s14;
	s23 =	spop (v2sf)  }
0x51: {  	[hbm4b:s22+s3] =	stream.linear.scatter [tilespmem:s14], [sflag:$0x1], $0x80, $0x38;
	[tilespmem:$0x1400] =	vst v63  }
0x52: {  	s24 =	sshll.u32 s23, $0xA;
	s14 =	sshll.u32 s23, $0x7  }
0x53: {  	s15 =	sand.u32 $0xFFFFF000, s24;
	s14 =	sand.u32 $0x180, s14  }
0x54: {  	(v2sf) =	vpush v0, $0x4;
	s14 =	sor.u32 s14, s15  }
0x55: {  	s25 =	sadd.s32 $0x30, s13;
	s26 =	sor.u32 $0x400, s14  }
0x56: {  	[hbm4b:s25+s3] =	stream.linear.scatter [tilespmem:s26], [sflag:$0x1], $0x80, $0x38;
	[tilespmem:$0x1400] =	vst v63  }
0x57: {  	s29 =	sadd.s32 $0xB0, s13;
	s28 =	sor.u32 $0x600, s14  }
0x58: {  	[hbm4b:s29+s3] =	stream.linear.scatter [tilespmem:s28], [sflag:$0x1], $0x80, $0x38;
	[tilespmem:$0x1400] =	vst v63  }
0x59: {  	s31 =	sadd.s32 $0x130, s13;
	s30 =	sor.u32 $0x800, s14  }
0x5a: {  	[hbm4b:s31+s3] =	stream.linear.scatter [tilespmem:s30], [sflag:$0x1], $0x80, $0x38;
	[tilespmem:$0x1400] =	vst v63  }
0x5b: {  	s17 =	sadd.s32 $0x1B0, s13;
	s16 =	sor.u32 $0xA00, s14  }
0x5c: {  	[hbm4b:s17+s3] =	stream.linear.scatter [tilespmem:s16], [sflag:$0x1], $0x80, $0x38;
	[tilespmem:$0x1400] =	vst v63  }
0x5d: {  	s19 =	sadd.s32 $0x230, s13;
	s18 =	sor.u32 $0xC00, s14  }
0x5e: {  	[hbm4b:s19+s3] =	stream.linear.scatter [tilespmem:s18], [sflag:$0x1], $0x80, $0x38;
	[tilespmem:$0x1400] =	vst v63  }
0x5f: {  	s21 =	sadd.s32 $0x2B0, s13;
	s20 =	sor.u32 $0xE00, s14  }
0x60: {  	[hbm4b:s21+s3] =	stream.linear.scatter [tilespmem:s20], [sflag:$0x1], $0x80, $0x38;
	[tilespmem:$0x1400] =	vst v63  }
0x61: {  	s23 =	sadd.s32 $0x330, s13;
	s22 =	sadd.s32 $0x1000, s14  }
0x62: {  	[hbm4b:s23+s3] =	stream.linear.scatter [tilespmem:s22], [sflag:$0x1], $0x80, $0x38;
	[tilespmem:$0x1400] =	vst v63  }
0x63: {  	s24 =	sadd.s32 $0x3B0, s13;
	s14 =	sadd.s32 $0x1200, s14;
	s25 =	spop (v2sf)  }
0x64: {  	[hbm4b:s24+s3] =	stream.linear.scatter [tilespmem:s14], [sflag:$0x1], $0x80, $0x38;
	[tilespmem:$0x1400] =	vst v63  }
0x65: {  	s26 =	sshll.u32 s25, $0xA;
	s14 =	sshll.u32 s25, $0x7  }
0x66: {  	s15 =	sand.u32 $0xFFFFF000, s26;
	s14 =	sand.u32 $0x180, s14  }
0x67: {  	(v2sf) =	vpush v0, $0x5;
	s14 =	sor.u32 s14, s15  }
0x68: {  	s28 =	sadd.s32 $0x40, s13;
	s29 =	sor.u32 $0x400, s14  }
0x69: {  	[hbm4b:s28+s3] =	stream.linear.scatter [tilespmem:s29], [sflag:$0x1], $0x80, $0x38;
	[tilespmem:$0x1400] =	vst v63  }
0x6a: {  	s31 =	sadd.s32 $0xC0, s13;
	s30 =	sor.u32 $0x600, s14  }
0x6b: {  	[hbm4b:s31+s3] =	stream.linear.scatter [tilespmem:s30], [sflag:$0x1], $0x80, $0x38;
	[tilespmem:$0x1400] =	vst v63  }
0x6c: {  	s17 =	sadd.s32 $0x140, s13;
	s16 =	sor.u32 $0x800, s14  }
0x6d: {  	[hbm4b:s17+s3] =	stream.linear.scatter [tilespmem:s16], [sflag:$0x1], $0x80, $0x38;
	[tilespmem:$0x1400] =	vst v63  }
0x6e: {  	s19 =	sadd.s32 $0x1C0, s13;
	s18 =	sor.u32 $0xA00, s14  }
0x6f: {  	[hbm4b:s19+s3] =	stream.linear.scatter [tilespmem:s18], [sflag:$0x1], $0x80, $0x38;
	[tilespmem:$0x1400] =	vst v63  }
0x70: {  	s21 =	sadd.s32 $0x240, s13;
	s20 =	sor.u32 $0xC00, s14  }
0x71: {  	[hbm4b:s21+s3] =	stream.linear.scatter [tilespmem:s20], [sflag:$0x1], $0x80, $0x38;
	[tilespmem:$0x1400] =	vst v63  }
0x72: {  	s23 =	sadd.s32 $0x2C0, s13;
	s22 =	sor.u32 $0xE00, s14  }
0x73: {  	[hbm4b:s23+s3] =	stream.linear.scatter [tilespmem:s22], [sflag:$0x1], $0x80, $0x38;
	[tilespmem:$0x1400] =	vst v63  }
0x74: {  	s25 =	sadd.s32 $0x340, s13;
	s24 =	sadd.s32 $0x1000, s14  }
0x75: {  	[hbm4b:s25+s3] =	stream.linear.scatter [tilespmem:s24], [sflag:$0x1], $0x80, $0x38;
	[tilespmem:$0x1400] =	vst v63  }
0x76: {  	s26 =	sadd.s32 $0x3C0, s13;
	s14 =	sadd.s32 $0x1200, s14;
	s28 =	spop (v2sf)  }
0x77: {  	[hbm4b:s26+s3] =	stream.linear.scatter [tilespmem:s14], [sflag:$0x1], $0x80, $0x38;
	[tilespmem:$0x1400] =	vst v63  }
0x78: {  	s29 =	sshll.u32 s28, $0xA;
	s14 =	sshll.u32 s28, $0x7  }
0x79: {  	s15 =	sand.u32 $0xFFFFF000, s29;
	s14 =	sand.u32 $0x180, s14  }
0x7a: {  	(v2sf) =	vpush v0, $0x6;
	s14 =	sor.u32 s14, s15  }
0x7b: {  	s30 =	sadd.s32 $0x50, s13;
	s31 =	sor.u32 $0x400, s14  }
0x7c: {  	[hbm4b:s30+s3] =	stream.linear.scatter [tilespmem:s31], [sflag:$0x1], $0x80, $0x38;
	[tilespmem:$0x1400] =	vst v63  }
0x7d: {  	s17 =	sadd.s32 $0xD0, s13;
	s16 =	sor.u32 $0x600, s14  }
0x7e: {  	[hbm4b:s17+s3] =	stream.linear.scatter [tilespmem:s16], [sflag:$0x1], $0x80, $0x38;
	[tilespmem:$0x1400] =	vst v63  }
0x7f: {  	s19 =	sadd.s32 $0x150, s13;
	s18 =	sor.u32 $0x800, s14  }
0x80: {  	[hbm4b:s19+s3] =	stream.linear.scatter [tilespmem:s18], [sflag:$0x1], $0x80, $0x38;
	[tilespmem:$0x1400] =	vst v63  }
0x81: {  	s21 =	sadd.s32 $0x1D0, s13;
	s20 =	sor.u32 $0xA00, s14  }
0x82: {  	[hbm4b:s21+s3] =	stream.linear.scatter [tilespmem:s20], [sflag:$0x1], $0x80, $0x38;
	[tilespmem:$0x1400] =	vst v63  }
0x83: {  	s23 =	sadd.s32 $0x250, s13;
	s22 =	sor.u32 $0xC00, s14  }
0x84: {  	[hbm4b:s23+s3] =	stream.linear.scatter [tilespmem:s22], [sflag:$0x1], $0x80, $0x38;
	[tilespmem:$0x1400] =	vst v63  }
0x85: {  	s25 =	sadd.s32 $0x2D0, s13;
	s24 =	sor.u32 $0xE00, s14  }
0x86: {  	[hbm4b:s25+s3] =	stream.linear.scatter [tilespmem:s24], [sflag:$0x1], $0x80, $0x38;
	[tilespmem:$0x1400] =	vst v63  }
0x87: {  	s28 =	sadd.s32 $0x350, s13;
	s26 =	sadd.s32 $0x1000, s14  }
0x88: {  	[hbm4b:s28+s3] =	stream.linear.scatter [tilespmem:s26], [sflag:$0x1], $0x80, $0x38;
	[tilespmem:$0x1400] =	vst v63  }
0x89: {  	s29 =	sadd.s32 $0x3D0, s13;
	s14 =	sadd.s32 $0x1200, s14;
	s30 =	spop (v2sf)  }
0x8a: {  	[hbm4b:s29+s3] =	stream.linear.scatter [tilespmem:s14], [sflag:$0x1], $0x80, $0x38;
	[tilespmem:$0x1400] =	vst v63  }
0x8b: {  	s31 =	sshll.u32 s30, $0xA;
	s14 =	sshll.u32 s30, $0x7  }
0x8c: {  	s15 =	sand.u32 $0xFFFFF000, s31;
	s14 =	sand.u32 $0x180, s14  }
0x8d: {  	(v2sf) =	vpush v0, $0x7;
	s14 =	sor.u32 s14, s15  }
0x8e: {  	s16 =	sadd.s32 $0x60, s13;
	s17 =	sor.u32 $0x400, s14  }
0x8f: {  	[hbm4b:s16+s3] =	stream.linear.scatter [tilespmem:s17], [sflag:$0x1], $0x80, $0x38;
	[tilespmem:$0x1400] =	vst v63  }
0x90: {  	s19 =	sadd.s32 $0xE0, s13;
	s18 =	sor.u32 $0x600, s14  }
0x91: {  	[hbm4b:s19+s3] =	stream.linear.scatter [tilespmem:s18], [sflag:$0x1], $0x80, $0x38;
	[tilespmem:$0x1400] =	vst v63  }
0x92: {  	s21 =	sadd.s32 $0x160, s13;
	s20 =	sor.u32 $0x800, s14  }
0x93: {  	[hbm4b:s21+s3] =	stream.linear.scatter [tilespmem:s20], [sflag:$0x1], $0x80, $0x38;
	[tilespmem:$0x1400] =	vst v63  }
0x94: {  	s23 =	sadd.s32 $0x1E0, s13;
	s22 =	sor.u32 $0xA00, s14  }
0x95: {  	[hbm4b:s23+s3] =	stream.linear.scatter [tilespmem:s22], [sflag:$0x1], $0x80, $0x38;
	[tilespmem:$0x1400] =	vst v63  }
0x96: {  	s25 =	sadd.s32 $0x260, s13;
	s24 =	sor.u32 $0xC00, s14  }
0x97: {  	[hbm4b:s25+s3] =	stream.linear.scatter [tilespmem:s24], [sflag:$0x1], $0x80, $0x38;
	[tilespmem:$0x1400] =	vst v63  }
0x98: {  	s28 =	sadd.s32 $0x2E0, s13;
	s26 =	sor.u32 $0xE00, s14  }
0x99: {  	[hbm4b:s28+s3] =	stream.linear.scatter [tilespmem:s26], [sflag:$0x1], $0x80, $0x38;
	[tilespmem:$0x1400] =	vst v63  }
0x9a: {  	s30 =	sadd.s32 $0x360, s13;
	s29 =	sadd.s32 $0x1000, s14  }
0x9b: {  	[hbm4b:s30+s3] =	stream.linear.scatter [tilespmem:s29], [sflag:$0x1], $0x80, $0x38;
	[tilespmem:$0x1400] =	vst v63  }
0x9c: {  	s31 =	sadd.s32 $0x3E0, s13;
	s15 =	spop (v2sf);
	s14 =	sadd.s32 $0x1200, s14  }
0x9d: {  	[hbm4b:s31+s3] =	stream.linear.scatter [tilespmem:s14], [sflag:$0x1], $0x80, $0x38;
	[tilespmem:$0x1400] =	vst v63  }
0x9e: {  	s16 =	sshll.u32 s15, $0xA;
	s14 =	sshll.u32 s15, $0x7  }
0x9f: {  	s15 =	sand.u32 $0xFFFFF000, s16;
	s14 =	sand.u32 $0x180, s14  }
0xa0: {  	(v2sf) =	vpush v0, $0x8;
	s14 =	sor.u32 s14, s15  }
0xa1: {  	s17 =	sadd.s32 $0x70, s13;
	s18 =	sor.u32 $0x400, s14  }
0xa2: {  	[hbm4b:s17+s3] =	stream.linear.scatter [tilespmem:s18], [sflag:$0x1], $0x80, $0x38;
	[tilespmem:$0x1400] =	vst v63  }
0xa3: {  	s20 =	sadd.s32 $0xF0, s13;
	s19 =	sor.u32 $0x600, s14  }
0xa4: {  	[hbm4b:s20+s3] =	stream.linear.scatter [tilespmem:s19], [sflag:$0x1], $0x80, $0x38;
	[tilespmem:$0x1400] =	vst v63  }
0xa5: {  	s22 =	sadd.s32 $0x170, s13;
	s21 =	sor.u32 $0x800, s14  }
0xa6: {  	[hbm4b:s22+s3] =	stream.linear.scatter [tilespmem:s21], [sflag:$0x1], $0x80, $0x38;
	[tilespmem:$0x1400] =	vst v63  }
0xa7: {  	s24 =	sadd.s32 $0x1F0, s13;
	s23 =	sor.u32 $0xA00, s14  }
0xa8: {  	[hbm4b:s24+s3] =	stream.linear.scatter [tilespmem:s23], [sflag:$0x1], $0x80, $0x38;
	[tilespmem:$0x1400] =	vst v63  }
0xa9: {  	s26 =	sadd.s32 $0x270, s13;
	s25 =	sor.u32 $0xC00, s14  }
0xaa: {  	[hbm4b:s26+s3] =	stream.linear.scatter [tilespmem:s25], [sflag:$0x1], $0x80, $0x38;
	[tilespmem:$0x1400] =	vst v63  }
0xab: {  	s29 =	sadd.s32 $0x2F0, s13;
	s28 =	sor.u32 $0xE00, s14  }
0xac: {  	[hbm4b:s29+s3] =	stream.linear.scatter [tilespmem:s28], [sflag:$0x1], $0x80, $0x38;
	[tilespmem:$0x1400] =	vst v63  }
0xad: {  	s31 =	sadd.s32 $0x370, s13;
	s30 =	sadd.s32 $0x1000, s14  }
0xae: {  	[hbm4b:s31+s3] =	stream.linear.scatter [tilespmem:s30], [sflag:$0x1], $0x80, $0x38;
	[tilespmem:$0x1400] =	vst v63  }
0xaf: {  	s16 =	sadd.s32 $0x3F0, s13;
	s14 =	sadd.s32 $0x1200, s14;
	s17 =	spop (v2sf)  }
0xb0: {  	[hbm4b:s16+s3] =	stream.linear.scatter [tilespmem:s14], [sflag:$0x1], $0x80, $0x38;
	[tilespmem:$0x1400] =	vst v63  }
0xb1: {  	s18 =	sshll.u32 s17, $0xA;
	s14 =	sshll.u32 s17, $0x7  }
0xb2: {  	s15 =	sand.u32 $0xFFFFF000, s18;
	s14 =	sand.u32 $0x180, s14  }
0xb3: {  	(v2sf) =	vpush v0, $0x9;
	s14 =	sor.u32 s14, s15  }
0xb4: {  	s19 =	sadd.s32 $0x400, s13;
	s20 =	sor.u32 $0x400, s14  }
0xb5: {  	[hbm4b:s19+s3] =	stream.linear.scatter [tilespmem:s20], [sflag:$0x1], $0x80, $0x38;
	[tilespmem:$0x1400] =	vst v63  }
0xb6: {  	s22 =	sadd.s32 $0x480, s13;
	s21 =	sor.u32 $0x600, s14  }
0xb7: {  	[hbm4b:s22+s3] =	stream.linear.scatter [tilespmem:s21], [sflag:$0x1], $0x80, $0x38;
	[tilespmem:$0x1400] =	vst v63  }
0xb8: {  	s24 =	sadd.s32 $0x500, s13;
	s23 =	sor.u32 $0x800, s14  }
0xb9: {  	[hbm4b:s24+s3] =	stream.linear.scatter [tilespmem:s23], [sflag:$0x1], $0x80, $0x38;
	[tilespmem:$0x1400] =	vst v63  }
0xba: {  	s26 =	sadd.s32 $0x580, s13;
	s25 =	sor.u32 $0xA00, s14  }
0xbb: {  	[hbm4b:s26+s3] =	stream.linear.scatter [tilespmem:s25], [sflag:$0x1], $0x80, $0x38;
	[tilespmem:$0x1400] =	vst v63  }
0xbc: {  	s29 =	sadd.s32 $0x600, s13;
	s28 =	sor.u32 $0xC00, s14  }
0xbd: {  	[hbm4b:s29+s3] =	stream.linear.scatter [tilespmem:s28], [sflag:$0x1], $0x80, $0x38;
	[tilespmem:$0x1400] =	vst v63  }
0xbe: {  	s31 =	sadd.s32 $0x680, s13;
	s30 =	sor.u32 $0xE00, s14  }
0xbf: {  	[hbm4b:s31+s3] =	stream.linear.scatter [tilespmem:s30], [sflag:$0x1], $0x80, $0x38;
	[tilespmem:$0x1400] =	vst v63  }
0xc0: {  	s17 =	sadd.s32 $0x700, s13;
	s16 =	sadd.s32 $0x1000, s14  }
0xc1: {  	[hbm4b:s17+s3] =	stream.linear.scatter [tilespmem:s16], [sflag:$0x1], $0x80, $0x38;
	[tilespmem:$0x1400] =	vst v63  }
0xc2: {  	s18 =	sadd.s32 $0x780, s13;
	s14 =	sadd.s32 $0x1200, s14;
	s19 =	spop (v2sf)  }
0xc3: {  	[hbm4b:s18+s3] =	stream.linear.scatter [tilespmem:s14], [sflag:$0x1], $0x80, $0x38;
	[tilespmem:$0x1400] =	vst v63  }
0xc4: {  	s20 =	sshll.u32 s19, $0xA;
	s14 =	sshll.u32 s19, $0x7  }
0xc5: {  	s15 =	sand.u32 $0xFFFFF000, s20;
	s14 =	sand.u32 $0x180, s14  }
0xc6: {  	(v2sf) =	vpush v0, $0xA;
	s14 =	sor.u32 s14, s15  }
0xc7: {  	s21 =	sadd.s32 $0x410, s13;
	s22 =	sor.u32 $0x400, s14  }
0xc8: {  	[hbm4b:s21+s3] =	stream.linear.scatter [tilespmem:s22], [sflag:$0x1], $0x80, $0x38;
	[tilespmem:$0x1400] =	vst v63  }
0xc9: {  	s24 =	sadd.s32 $0x490, s13;
	s23 =	sor.u32 $0x600, s14  }
0xca: {  	[hbm4b:s24+s3] =	stream.linear.scatter [tilespmem:s23], [sflag:$0x1], $0x80, $0x38;
	[tilespmem:$0x1400] =	vst v63  }
0xcb: {  	s26 =	sadd.s32 $0x510, s13;
	s25 =	sor.u32 $0x800, s14  }
0xcc: {  	[hbm4b:s26+s3] =	stream.linear.scatter [tilespmem:s25], [sflag:$0x1], $0x80, $0x38;
	[tilespmem:$0x1400] =	vst v63  }
0xcd: {  	s29 =	sadd.s32 $0x590, s13;
	s28 =	sor.u32 $0xA00, s14  }
0xce: {  	[hbm4b:s29+s3] =	stream.linear.scatter [tilespmem:s28], [sflag:$0x1], $0x80, $0x38;
	[tilespmem:$0x1400] =	vst v63  }
0xcf: {  	s31 =	sadd.s32 $0x610, s13;
	s30 =	sor.u32 $0xC00, s14  }
0xd0: {  	[hbm4b:s31+s3] =	stream.linear.scatter [tilespmem:s30], [sflag:$0x1], $0x80, $0x38;
	[tilespmem:$0x1400] =	vst v63  }
0xd1: {  	s17 =	sadd.s32 $0x690, s13;
	s16 =	sor.u32 $0xE00, s14  }
0xd2: {  	[hbm4b:s17+s3] =	stream.linear.scatter [tilespmem:s16], [sflag:$0x1], $0x80, $0x38;
	[tilespmem:$0x1400] =	vst v63  }
0xd3: {  	s19 =	sadd.s32 $0x710, s13;
	s18 =	sadd.s32 $0x1000, s14  }
0xd4: {  	[hbm4b:s19+s3] =	stream.linear.scatter [tilespmem:s18], [sflag:$0x1], $0x80, $0x38;
	[tilespmem:$0x1400] =	vst v63  }
0xd5: {  	s20 =	sadd.s32 $0x790, s13;
	s14 =	sadd.s32 $0x1200, s14;
	s21 =	spop (v2sf)  }
0xd6: {  	[hbm4b:s20+s3] =	stream.linear.scatter [tilespmem:s14], [sflag:$0x1], $0x80, $0x38;
	[tilespmem:$0x1400] =	vst v63  }
0xd7: {  	s22 =	sshll.u32 s21, $0xA;
	s14 =	sshll.u32 s21, $0x7  }
0xd8: {  	s15 =	sand.u32 $0xFFFFF000, s22;
	s14 =	sand.u32 $0x180, s14  }
0xd9: {  	(v2sf) =	vpush v0, $0xB;
	s14 =	sor.u32 s14, s15  }
0xda: {  	s23 =	sadd.s32 $0x420, s13;
	s24 =	sor.u32 $0x400, s14  }
0xdb: {  	[hbm4b:s23+s3] =	stream.linear.scatter [tilespmem:s24], [sflag:$0x1], $0x80, $0x38;
	[tilespmem:$0x1400] =	vst v63  }
0xdc: {  	s26 =	sadd.s32 $0x4A0, s13;
	s25 =	sor.u32 $0x600, s14  }
0xdd: {  	[hbm4b:s26+s3] =	stream.linear.scatter [tilespmem:s25], [sflag:$0x1], $0x80, $0x38;
	[tilespmem:$0x1400] =	vst v63  }
0xde: {  	s29 =	sadd.s32 $0x520, s13;
	s28 =	sor.u32 $0x800, s14  }
0xdf: {  	[hbm4b:s29+s3] =	stream.linear.scatter [tilespmem:s28], [sflag:$0x1], $0x80, $0x38;
	[tilespmem:$0x1400] =	vst v63  }
0xe0: {  	s31 =	sadd.s32 $0x5A0, s13;
	s30 =	sor.u32 $0xA00, s14  }
0xe1: {  	[hbm4b:s31+s3] =	stream.linear.scatter [tilespmem:s30], [sflag:$0x1], $0x80, $0x38;
	[tilespmem:$0x1400] =	vst v63  }
0xe2: {  	s17 =	sadd.s32 $0x620, s13;
	s16 =	sor.u32 $0xC00, s14  }
0xe3: {  	[hbm4b:s17+s3] =	stream.linear.scatter [tilespmem:s16], [sflag:$0x1], $0x80, $0x38;
	[tilespmem:$0x1400] =	vst v63  }
0xe4: {  	s19 =	sadd.s32 $0x6A0, s13;
	s18 =	sor.u32 $0xE00, s14  }
0xe5: {  	[hbm4b:s19+s3] =	stream.linear.scatter [tilespmem:s18], [sflag:$0x1], $0x80, $0x38;
	[tilespmem:$0x1400] =	vst v63  }
0xe6: {  	s21 =	sadd.s32 $0x720, s13;
	s20 =	sadd.s32 $0x1000, s14  }
0xe7: {  	[hbm4b:s21+s3] =	stream.linear.scatter [tilespmem:s20], [sflag:$0x1], $0x80, $0x38;
	[tilespmem:$0x1400] =	vst v63  }
0xe8: {  	s22 =	sadd.s32 $0x7A0, s13;
	s14 =	sadd.s32 $0x1200, s14;
	s23 =	spop (v2sf)  }
0xe9: {  	[hbm4b:s22+s3] =	stream.linear.scatter [tilespmem:s14], [sflag:$0x1], $0x80, $0x38;
	[tilespmem:$0x1400] =	vst v63  }
0xea: {  	s24 =	sshll.u32 s23, $0xA;
	s14 =	sshll.u32 s23, $0x7  }
0xeb: {  	s15 =	sand.u32 $0xFFFFF000, s24;
	s14 =	sand.u32 $0x180, s14  }
0xec: {  	(v2sf) =	vpush v0, $0xC;
	s14 =	sor.u32 s14, s15  }
0xed: {  	s25 =	sadd.s32 $0x430, s13;
	s26 =	sor.u32 $0x400, s14  }
0xee: {  	[hbm4b:s25+s3] =	stream.linear.scatter [tilespmem:s26], [sflag:$0x1], $0x80, $0x38;
	[tilespmem:$0x1400] =	vst v63  }
0xef: {  	s29 =	sadd.s32 $0x4B0, s13;
	s28 =	sor.u32 $0x600, s14  }
0xf0: {  	[hbm4b:s29+s3] =	stream.linear.scatter [tilespmem:s28], [sflag:$0x1], $0x80, $0x38;
	[tilespmem:$0x1400] =	vst v63  }
0xf1: {  	s31 =	sadd.s32 $0x530, s13;
	s30 =	sor.u32 $0x800, s14  }
0xf2: {  	[hbm4b:s31+s3] =	stream.linear.scatter [tilespmem:s30], [sflag:$0x1], $0x80, $0x38;
	[tilespmem:$0x1400] =	vst v63  }
0xf3: {  	s17 =	sadd.s32 $0x5B0, s13;
	s16 =	sor.u32 $0xA00, s14  }
0xf4: {  	[hbm4b:s17+s3] =	stream.linear.scatter [tilespmem:s16], [sflag:$0x1], $0x80, $0x38;
	[tilespmem:$0x1400] =	vst v63  }
0xf5: {  	s19 =	sadd.s32 $0x630, s13;
	s18 =	sor.u32 $0xC00, s14  }
0xf6: {  	[hbm4b:s19+s3] =	stream.linear.scatter [tilespmem:s18], [sflag:$0x1], $0x80, $0x38;
	[tilespmem:$0x1400] =	vst v63  }
0xf7: {  	s21 =	sadd.s32 $0x6B0, s13;
	s20 =	sor.u32 $0xE00, s14  }
0xf8: {  	[hbm4b:s21+s3] =	stream.linear.scatter [tilespmem:s20], [sflag:$0x1], $0x80, $0x38;
	[tilespmem:$0x1400] =	vst v63  }
0xf9: {  	s23 =	sadd.s32 $0x730, s13;
	s22 =	sadd.s32 $0x1000, s14  }
0xfa: {  	[hbm4b:s23+s3] =	stream.linear.scatter [tilespmem:s22], [sflag:$0x1], $0x80, $0x38;
	[tilespmem:$0x1400] =	vst v63  }
0xfb: {  	s24 =	sadd.s32 $0x7B0, s13;
	s14 =	sadd.s32 $0x1200, s14;
	s25 =	spop (v2sf)  }
0xfc: {  	[hbm4b:s24+s3] =	stream.linear.scatter [tilespmem:s14], [sflag:$0x1], $0x80, $0x38;
	[tilespmem:$0x1400] =	vst v63  }
0xfd: {  	s26 =	sshll.u32 s25, $0xA;
	s14 =	sshll.u32 s25, $0x7  }
0xfe: {  	s15 =	sand.u32 $0xFFFFF000, s26;
	s14 =	sand.u32 $0x180, s14  }
0xff: {  	(v2sf) =	vpush v0, $0xD;
	s14 =	sor.u32 s14, s15  }
0x100: {  	s28 =	sadd.s32 $0x440, s13;
	s29 =	sor.u32 $0x400, s14  }
0x101: {  	[hbm4b:s28+s3] =	stream.linear.scatter [tilespmem:s29], [sflag:$0x1], $0x80, $0x38;
	[tilespmem:$0x1400] =	vst v63  }
0x102: {  	s31 =	sadd.s32 $0x4C0, s13;
	s30 =	sor.u32 $0x600, s14  }
0x103: {  	[hbm4b:s31+s3] =	stream.linear.scatter [tilespmem:s30], [sflag:$0x1], $0x80, $0x38;
	[tilespmem:$0x1400] =	vst v63  }
0x104: {  	s17 =	sadd.s32 $0x540, s13;
	s16 =	sor.u32 $0x800, s14  }
0x105: {  	[hbm4b:s17+s3] =	stream.linear.scatter [tilespmem:s16], [sflag:$0x1], $0x80, $0x38;
	[tilespmem:$0x1400] =	vst v63  }
0x106: {  	s19 =	sadd.s32 $0x5C0, s13;
	s18 =	sor.u32 $0xA00, s14  }
0x107: {  	[hbm4b:s19+s3] =	stream.linear.scatter [tilespmem:s18], [sflag:$0x1], $0x80, $0x38;
	[tilespmem:$0x1400] =	vst v63  }
0x108: {  	s21 =	sadd.s32 $0x640, s13;
	s20 =	sor.u32 $0xC00, s14  }
0x109: {  	[hbm4b:s21+s3] =	stream.linear.scatter [tilespmem:s20], [sflag:$0x1], $0x80, $0x38;
	[tilespmem:$0x1400] =	vst v63  }
0x10a: {  	s23 =	sadd.s32 $0x6C0, s13;
	s22 =	sor.u32 $0xE00, s14  }
0x10b: {  	[hbm4b:s23+s3] =	stream.linear.scatter [tilespmem:s22], [sflag:$0x1], $0x80, $0x38;
	[tilespmem:$0x1400] =	vst v63  }
0x10c: {  	s25 =	sadd.s32 $0x740, s13;
	s24 =	sadd.s32 $0x1000, s14  }
0x10d: {  	[hbm4b:s25+s3] =	stream.linear.scatter [tilespmem:s24], [sflag:$0x1], $0x80, $0x38;
	[tilespmem:$0x1400] =	vst v63  }
0x10e: {  	s26 =	sadd.s32 $0x7C0, s13;
	s14 =	sadd.s32 $0x1200, s14;
	s28 =	spop (v2sf)  }
0x10f: {  	[hbm4b:s26+s3] =	stream.linear.scatter [tilespmem:s14], [sflag:$0x1], $0x80, $0x38;
	[tilespmem:$0x1400] =	vst v63  }
0x110: {  	s29 =	sshll.u32 s28, $0xA;
	s14 =	sshll.u32 s28, $0x7  }
0x111: {  	s15 =	sand.u32 $0xFFFFF000, s29;
	s14 =	sand.u32 $0x180, s14  }
0x112: {  	(v2sf) =	vpush v0, $0xE;
	s14 =	sor.u32 s14, s15  }
0x113: {  	s30 =	sadd.s32 $0x450, s13;
	s31 =	sor.u32 $0x400, s14  }
0x114: {  	[hbm4b:s30+s3] =	stream.linear.scatter [tilespmem:s31], [sflag:$0x1], $0x80, $0x38;
	[tilespmem:$0x1400] =	vst v63  }
0x115: {  	s17 =	sadd.s32 $0x4D0, s13;
	s16 =	sor.u32 $0x600, s14  }
0x116: {  	[hbm4b:s17+s3] =	stream.linear.scatter [tilespmem:s16], [sflag:$0x1], $0x80, $0x38;
	[tilespmem:$0x1400] =	vst v63  }
0x117: {  	s19 =	sadd.s32 $0x550, s13;
	s18 =	sor.u32 $0x800, s14  }
0x118: {  	[hbm4b:s19+s3] =	stream.linear.scatter [tilespmem:s18], [sflag:$0x1], $0x80, $0x38;
	[tilespmem:$0x1400] =	vst v63  }
0x119: {  	s21 =	sadd.s32 $0x5D0, s13;
	s20 =	sor.u32 $0xA00, s14  }
0x11a: {  	[hbm4b:s21+s3] =	stream.linear.scatter [tilespmem:s20], [sflag:$0x1], $0x80, $0x38;
	[tilespmem:$0x1400] =	vst v63  }
0x11b: {  	s23 =	sadd.s32 $0x650, s13;
	s22 =	sor.u32 $0xC00, s14  }
0x11c: {  	[hbm4b:s23+s3] =	stream.linear.scatter [tilespmem:s22], [sflag:$0x1], $0x80, $0x38;
	[tilespmem:$0x1400] =	vst v63  }
0x11d: {  	s25 =	sadd.s32 $0x6D0, s13;
	s24 =	sor.u32 $0xE00, s14  }
0x11e: {  	[hbm4b:s25+s3] =	stream.linear.scatter [tilespmem:s24], [sflag:$0x1], $0x80, $0x38;
	[tilespmem:$0x1400] =	vst v63  }
0x11f: {  	s28 =	sadd.s32 $0x750, s13;
	s26 =	sadd.s32 $0x1000, s14  }
0x120: {  	[hbm4b:s28+s3] =	stream.linear.scatter [tilespmem:s26], [sflag:$0x1], $0x80, $0x38;
	[tilespmem:$0x1400] =	vst v63  }
0x121: {  	s29 =	sadd.s32 $0x7D0, s13;
	s14 =	sadd.s32 $0x1200, s14;
	s30 =	spop (v2sf)  }
0x122: {  	[hbm4b:s29+s3] =	stream.linear.scatter [tilespmem:s14], [sflag:$0x1], $0x80, $0x38;
	[tilespmem:$0x1400] =	vst v63  }
0x123: {  	s31 =	sshll.u32 s30, $0xA;
	s14 =	sshll.u32 s30, $0x7  }
0x124: {  	s15 =	sand.u32 $0xFFFFF000, s31;
	s14 =	sand.u32 $0x180, s14  }
0x125: {  	(v2sf) =	vpush v0, $0xF;
	s14 =	sor.u32 s14, s15  }
0x126: {  	s16 =	sadd.s32 $0x460, s13;
	s17 =	sor.u32 $0x400, s14  }
0x127: {  	[hbm4b:s16+s3] =	stream.linear.scatter [tilespmem:s17], [sflag:$0x1], $0x80, $0x38;
	[tilespmem:$0x1400] =	vst v63  }
0x128: {  	s19 =	sadd.s32 $0x4E0, s13;
	s18 =	sor.u32 $0x600, s14  }
0x129: {  	[hbm4b:s19+s3] =	stream.linear.scatter [tilespmem:s18], [sflag:$0x1], $0x80, $0x38;
	[tilespmem:$0x1400] =	vst v63  }
0x12a: {  	s21 =	sadd.s32 $0x560, s13;
	s20 =	sor.u32 $0x800, s14  }
0x12b: {  	[hbm4b:s21+s3] =	stream.linear.scatter [tilespmem:s20], [sflag:$0x1], $0x80, $0x38;
	[tilespmem:$0x1400] =	vst v63  }
0x12c: {  	s23 =	sadd.s32 $0x5E0, s13;
	s22 =	sor.u32 $0xA00, s14  }
0x12d: {  	[hbm4b:s23+s3] =	stream.linear.scatter [tilespmem:s22], [sflag:$0x1], $0x80, $0x38;
	[tilespmem:$0x1400] =	vst v63  }
0x12e: {  	s25 =	sadd.s32 $0x660, s13;
	s24 =	sor.u32 $0xC00, s14  }
0x12f: {  	[hbm4b:s25+s3] =	stream.linear.scatter [tilespmem:s24], [sflag:$0x1], $0x80, $0x38;
	[tilespmem:$0x1400] =	vst v63  }
0x130: {  	s28 =	sadd.s32 $0x6E0, s13;
	s26 =	sor.u32 $0xE00, s14  }
0x131: {  	[hbm4b:s28+s3] =	stream.linear.scatter [tilespmem:s26], [sflag:$0x1], $0x80, $0x38;
	[tilespmem:$0x1400] =	vst v63  }
0x132: {  	s30 =	sadd.s32 $0x760, s13;
	s29 =	sadd.s32 $0x1000, s14  }
0x133: {  	[hbm4b:s30+s3] =	stream.linear.scatter [tilespmem:s29], [sflag:$0x1], $0x80, $0x38;
	[tilespmem:$0x1400] =	vst v63  }
0x134: {  	s31 =	sadd.s32 $0x7E0, s13;
	s15 =	spop (v2sf);
	s14 =	sadd.s32 $0x1200, s14  }
0x135: {  	[hbm4b:s31+s3] =	stream.linear.scatter [tilespmem:s14], [sflag:$0x1], $0x80, $0x38;
	[tilespmem:$0x1400] =	vst v63  }
0x136: {  	s16 =	sshll.u32 s15, $0xA;
	s14 =	sshll.u32 s15, $0x7  }
0x137: {  	s15 =	sand.u32 $0xFFFFF000, s16;
	s14 =	sand.u32 $0x180, s14  }
0x138: {  	s14 =	sor.u32 s14, s15  }
0x139: {  	s17 =	sadd.s32 $0x470, s13;
	s18 =	sor.u32 $0x400, s14  }
0x13a: {  	[hbm4b:s17+s3] =	stream.linear.scatter [tilespmem:s18], [sflag:$0x1], $0x80, $0x38;
	[tilespmem:$0x1400] =	vst v63  }
0x13b: {  	s20 =	sadd.s32 $0x4F0, s13;
	s19 =	sor.u32 $0x600, s14  }
0x13c: {  	[hbm4b:s20+s3] =	stream.linear.scatter [tilespmem:s19], [sflag:$0x1], $0x80, $0x38;
	[tilespmem:$0x1400] =	vst v63  }
0x13d: {  	s22 =	sadd.s32 $0x570, s13;
	s21 =	sor.u32 $0x800, s14  }
0x13e: {  	[hbm4b:s22+s3] =	stream.linear.scatter [tilespmem:s21], [sflag:$0x1], $0x80, $0x38;
	[tilespmem:$0x1400] =	vst v63  }
0x13f: {  	s24 =	sadd.s32 $0x5F0, s13;
	s23 =	sor.u32 $0xA00, s14  }
0x140: {  	[hbm4b:s24+s3] =	stream.linear.scatter [tilespmem:s23], [sflag:$0x1], $0x80, $0x38;
	[tilespmem:$0x1400] =	vst v63  }
0x141: {  	s26 =	sadd.s32 $0x670, s13;
	s25 =	sor.u32 $0xC00, s14  }
0x142: {  	[hbm4b:s26+s3] =	stream.linear.scatter [tilespmem:s25], [sflag:$0x1], $0x80, $0x38;
	[tilespmem:$0x1400] =	vst v63  }
0x143: {  	p0 =	sne.s32 s12, $0x1F800;
	s29 =	sadd.s32 $0x6F0, s13;
	s28 =	sor.u32 $0xE00, s14  }
0x144: {  	[hbm4b:s29+s3] =	stream.linear.scatter [tilespmem:s28], [sflag:$0x1], $0x80, $0x38;
	[tilespmem:$0x1400] =	vst v63  }
.Ltmp0:
0x145: {  	_ = 	snop;
	(pc) =	sbr.rel @p0 .LBB2_2-.Ltmp0, $4  }
0x146: {  	s11 =	sadd.s32 $0x10, s11;
	s31 =	sadd.s32 $0x770, s13;
	s30 =	sadd.s32 $0x1000, s14  }
0x147: {  	[hbm4b:s31+s3] =	stream.linear.scatter [tilespmem:s30], [sflag:$0x1], $0x80, $0x38;
	[tilespmem:$0x1400] =	vst v63  }
0x148: {  	s12 =	sadd.s32 $0x800, s12;
	s13 =	sadd.s32 $0x7F0, s13;
	s14 =	sadd.s32 $0x1200, s14  }
0x149: {  	[hbm4b:s13+s3] =	stream.linear.scatter [tilespmem:s14], [sflag:$0x1], $0x80, $0x38;
	[tilespmem:$0x1400] =	vst v63  }
0x14a: {  	s10 =	sadd.s32 $0x1, s10  }
0x14b: {  	p0 =	sne.s32 s10, s5  }
.Ltmp1:
0x14c: {  	_ = 	snop;
	(pc) =	sbr.rel @p0 .LBB2_1-.Ltmp1, $4  }
0x14d: {  	_ = 	snop  }
0x14e: {  	_ =	swait.ge [sflag:s9], $0x20000  }
0x14f: {  	[sflag:s9] =	ssyncset.done $0x0  }
0x150: {  	[sflag:s9] =	ssyncadd.s32 $0xFFFE0000  }
0x151: {  	_ =	sfence.sel $0x180000  }
0x152: {  	[bflag:$0x0] =	sbarrier.arrive $0xFFFF  }
0x153: {  	p0 =	sne.s32 s2, $0x0;
	_ =	strace $0x90000047  }
0x154: {  	s0 =	sadd.s32 @!p0 $0x100000, s0;
	[bflag:$0x2] =	sbarrier.arrive $0xFFFF  }
0x155: {  	[sflag:s0] =	ssyncadd.tile.s32 @!p0 $0x1;
	_ =	shalt  }
.Lfunc_end2:
_tile_overlayer_lowered:
.L_overlay_start_2:
0x156: {  	(tag) =	ssettag $0x2  }
0x157: {  	s0 =	rddreg [dreg:$0x0];
	s2 =	stileid.u32  }
0x158: {  	s1 =	rddreg [dreg:$0x1];
	p0 =	sne.s32 s2, $0x0  }
0x159: {  	s3 =	rddreg [dreg:$0x2];
	[bflag:$0x3] =	sbarrier.arrive $0xFFFF;
	s2 =	simm.s32 @!p0 $0x1C02  }
0x15a: {  	[timem:s3], [sflag:s2] =	dma.local @!p0 [hbm:s0], s1  }
0x15b: {  	s0 =	simm.s32 @!p0 $0x2  }
0x15c: {  	_ =	swait.ge @!p0 [sflag:s0], s1  }
0x15d: {  	s1 =	ssub.s32 @!p0 $0x0, s1;
	[sflag:s0] =	ssyncset.done @!p0 $0x0  }
0x15e: {  	[sflag:s0] =	ssyncadd.s32 @!p0 s1  }
0x15f: {  	[bflag:$0x3] =	sbarrier.arrive $0xFFFF  }
0x160: {  	_ =	shalt  }

</sc_bundles>
